<compile_context>
chip_gen: v7x
topology: tpu7x:2x2x1
jax: 0.10.2.dev20260603
libtpu: 0.0.44.dev20260713+nightly
codegen_flags: <defaults>
</compile_context>

<pallas_src>
import jax
import jax.numpy as jnp
from jax.experimental import pallas as pl

H = 12
DH = 64
C = 64
EPS = 1e-12
T = 512
QT = 4 * C
KT = 5 * C


def _fused_kernel(x_ref, h_ref, wq_ref, wk_ref, wv_ref, wo_ref, g_ref, b_ref,
                  o_ref):
    x = jnp.concatenate([h_ref[0], x_ref[0]], axis=0).astype(jnp.float32)
    mu = jnp.mean(x, axis=-1, keepdims=True)
    var = jnp.mean(x * x, axis=-1, keepdims=True) - mu * mu
    xn = (x - mu) * jax.lax.rsqrt(var + EPS) * g_ref[0] + b_ref[0]

    xnb = xn.astype(jnp.bfloat16)
    q = jnp.dot(xnb[C:], wq_ref[...],
                preferred_element_type=jnp.float32).astype(jnp.bfloat16)
    k = jnp.dot(xnb, wk_ref[...],
                preferred_element_type=jnp.float32).astype(jnp.bfloat16)
    v = jnp.dot(xnb, wv_ref[...],
                preferred_element_type=jnp.float32).astype(jnp.bfloat16)

    row = jax.lax.broadcasted_iota(jnp.int32, (QT, KT), 0)
    col = jax.lax.broadcasted_iota(jnp.int32, (QT, KT), 1)
    diff = col // C - row // C
    mask = jnp.where((diff == 0) | (diff == 1),
                     0.0, -1e30).astype(jnp.float32)

    nt = T // QT
    y = jnp.zeros((T, x.shape[-1]), jnp.float32)
    for h in range(H):
        sl = slice(h * DH, (h + 1) * DH)
        qh = q[:, sl]
        kh = k[:, sl]
        vh = v[:, sl]
        tiles = []
        for j in range(nt):
            qt = qh[j * QT:(j + 1) * QT]
            kw = kh[j * QT:j * QT + KT]
            vw = vh[j * QT:j * QT + KT]
            dots = jax.lax.dot_general(
                qt, kw, (((1,), (1,)), ((), ())),
                preferred_element_type=jnp.float32) + mask
            p = jnp.exp(dots)
            s = jnp.sum(p, axis=-1, keepdims=True)
            o = jax.lax.dot_general(
                p.astype(jnp.bfloat16), vw, (((1,), (0,)), ((), ())),
                preferred_element_type=jnp.float32)
            tiles.append(o / s)
        oh = jnp.concatenate(tiles, axis=0).astype(jnp.bfloat16)
        y = y + jnp.dot(oh, wo_ref[sl, :],
                        preferred_element_type=jnp.float32)
    o_ref[0] = y


def kernel(query, key, Wq, Wk, Wv, Wo, ln_g, ln_b):
    del key
    S, B, D = query.shape
    x = jnp.transpose(query, (1, 0, 2)).astype(jnp.bfloat16)
    nblk = S // T
    nbc = T // C
    nc = S // C

    grid = (B, nblk)
    out = pl.pallas_call(
        _fused_kernel,
        grid=grid,
        in_specs=[
            pl.BlockSpec((1, T, D), lambda b, i: (b, i, 0)),
            pl.BlockSpec((1, C, D), lambda b, i: (b, (i * nbc - 1) % nc, 0)),
            pl.BlockSpec((D, H * DH), lambda b, i: (0, 0)),
            pl.BlockSpec((D, H * DH), lambda b, i: (0, 0)),
            pl.BlockSpec((D, H * DH), lambda b, i: (0, 0)),
            pl.BlockSpec((H * DH, D), lambda b, i: (0, 0)),
            pl.BlockSpec((1, D), lambda b, i: (0, 0)),
            pl.BlockSpec((1, D), lambda b, i: (0, 0)),
        ],
        out_specs=pl.BlockSpec((1, T, D), lambda b, i: (b, i, 0)),
        out_shape=jax.ShapeDtypeStruct((B, S, D), jnp.float32),
    )(x, x, (Wq / jnp.sqrt(jnp.asarray(DH, jnp.float32))).astype(jnp.bfloat16),
      Wk.astype(jnp.bfloat16),
      Wv.astype(jnp.bfloat16), Wo.astype(jnp.bfloat16),
      ln_g.reshape(1, D), ln_b.reshape(1, D))
    return jnp.transpose(out, (1, 0, 2))

# --- scband reference (transcript-rebuilt; emitter-appended) ---
"""Pipeline reference for scband-reformer-attention-for-bart-70282844832207 (READ-ONLY COPY).

The authoritative reference and input builder live on the scoring server;
editing this copy changes nothing except your own understanding.
"""

import jax, jax.numpy as jnp
import numpy as np

S, B, D = 8192, 2, 768
H, DH = 12, 64
C = 64            # local_attn_chunk_length
N_BEFORE, N_AFTER = 1, 0
EPS = 1e-12


def setup_inputs():
    rng = jax.random.key(0)
    ks = jax.random.split(rng, 8)
    scale = 0.02
    return {
        "query": jax.random.normal(ks[0], (S, B, D), dtype=jnp.float32),
        "key": jax.random.normal(ks[1], (S, B, D), dtype=jnp.float32),
        "Wq": jax.random.normal(ks[2], (D, H * DH), dtype=jnp.float32) * scale,
        "Wk": jax.random.normal(ks[3], (D, H * DH), dtype=jnp.float32) * scale,
        "Wv": jax.random.normal(ks[4], (D, H * DH), dtype=jnp.float32) * scale,
        "Wo": jax.random.normal(ks[5], (H * DH, D), dtype=jnp.float32) * scale,
        "ln_g": jnp.ones((D,), jnp.float32),
        "ln_b": jnp.zeros((D,), jnp.float32),
    }


def _look_adjacent(x):
    # x: [B, H, nC, C, dh]; replicates HF Reformer _look_adjacent (wrap-around roll)
    slices = []
    for i in range(-N_BEFORE, N_AFTER + 1):
        if i == 0:
            slices.append(x)
        else:
            slices.append(jnp.concatenate([x[:, :, i:], x[:, :, :i]], axis=2))
    return jnp.concatenate(slices, axis=3)


def reference(query, key, Wq, Wk, Wv, Wo, ln_g, ln_b):
    # query: [tgt_len, bsz, embed_dim] -> transpose(0, 1) as in the torch module
    # (the `key` arg is accepted but unused by ReformerAttentionForBart)
    x = jnp.transpose(query, (1, 0, 2))  # [B, S, D]
    # ReformerAttention pre-LayerNorm
    mu = jnp.mean(x, axis=-1, keepdims=True)
    var = jnp.mean((x - mu) ** 2, axis=-1, keepdims=True)
    xn = (x - mu) / jnp.sqrt(var + EPS) * ln_g + ln_b

    def split_heads(t):
        return jnp.transpose(t.reshape(B, S, H, DH), (0, 2, 1, 3))  # [B,H,S,dh]

    q = split_heads(xn @ Wq)
    k = split_heads(xn @ Wk)
    v = split_heads(xn @ Wv)

    nC = S // C
    qc = q.reshape(B, H, nC, C, DH)
    kc = k.reshape(B, H, nC, C, DH)
    vc = v.reshape(B, H, nC, C, DH)

    kc = _look_adjacent(kc) / jnp.sqrt(jnp.asarray(DH, jnp.float32))
    vc = _look_adjacent(vc)

    dots = jnp.einsum('bhncd,bhnkd->bhnck', qc, kc)  # [B,H,nC,C,(1+before)*C]
    logits = jax.nn.logsumexp(dots, axis=-1, keepdims=True)
    probs = jnp.exp(dots - logits)  # HF local-attention softmax form
    out = jnp.einsum('bhnck,bhnkd->bhncd', probs, vc)

    out = out.reshape(B, H, S, DH)
    out = jnp.transpose(out, (0, 2, 1, 3)).reshape(B, S, H * DH)
    out = out @ Wo  # ReformerSelfOutput dense (bias=False)
    return jnp.transpose(out, (1, 0, 2))  # back to [S, B, D]

if __name__ == "__main__":
    import jax
    _d = setup_inputs()
    print(jax.jit(kernel)(*tuple(_d.values())))

</pallas_src>

<mosaic_0001>
module attributes {stable_mosaic.version = 14 : i64} {
  func.func @_fused_kernel(%arg0: i32, %arg1: i32, %arg2: memref<1x512x768xbf16, #tpu.memory_space<vmem>>, %arg3: memref<1x64x768xbf16, #tpu.memory_space<vmem>>, %arg4: memref<768x768xbf16, #tpu.memory_space<vmem>>, %arg5: memref<768x768xbf16, #tpu.memory_space<vmem>>, %arg6: memref<768x768xbf16, #tpu.memory_space<vmem>>, %arg7: memref<768x768xbf16, #tpu.memory_space<vmem>>, %arg8: memref<1x768xf32, #tpu.memory_space<vmem>>, %arg9: memref<1x768xf32, #tpu.memory_space<vmem>>, %arg10: memref<1x512x768xf32, #tpu.memory_space<vmem>>) attributes {dimension_semantics = [#tpu.dimension_semantics<arbitrary>, #tpu.dimension_semantics<arbitrary>], iteration_bounds = array<i64: 2, 16>, scalar_prefetch = 0 : i64, scratch_operands = 0 : i64, tpu.core_type = #tpu.core_type<tc>, window_params = [{transform_indices = @transform_0, window_bounds = array<i64: 1, 512, 768>}, {transform_indices = @transform_1, window_bounds = array<i64: 1, 64, 768>}, {pipeline_mode = #tpu.pipeline_mode<synchronous>, transform_indices = @transform_2, window_bounds = array<i64: 768, 768>}, {pipeline_mode = #tpu.pipeline_mode<synchronous>, transform_indices = @transform_3, window_bounds = array<i64: 768, 768>}, {pipeline_mode = #tpu.pipeline_mode<synchronous>, transform_indices = @transform_4, window_bounds = array<i64: 768, 768>}, {pipeline_mode = #tpu.pipeline_mode<synchronous>, transform_indices = @transform_5, window_bounds = array<i64: 768, 768>}, {pipeline_mode = #tpu.pipeline_mode<synchronous>, transform_indices = @transform_6, window_bounds = array<i64: 1, 768>}, {pipeline_mode = #tpu.pipeline_mode<synchronous>, transform_indices = @transform_7, window_bounds = array<i64: 1, 768>}, {transform_indices = @transform_8, window_bounds = array<i64: 1, 512, 768>}]} {
    %get3A = arith.constant 0 : index
    %get3A_0 = arith.constant 0 : index
    %get3A_1 = arith.constant 0 : index
    %get3A_2 = vector.load %arg3[%get3A, %get3A_0, %get3A_1] : memref<1x64x768xbf16, #tpu.memory_space<vmem>>, vector<1x64x768xbf16>
    %get3A_3 = vector.shape_cast %get3A_2 : vector<1x64x768xbf16> to vector<64x768xbf16>
    %get3A_4 = arith.constant 0 : index
    %get3A_5 = arith.constant 0 : index
    %get3A_6 = arith.constant 0 : index
    %get3A_7 = vector.load %arg2[%get3A_4, %get3A_5, %get3A_6] : memref<1x512x768xbf16, #tpu.memory_space<vmem>>, vector<1x512x768xbf16>
    %get3A_8 = vector.shape_cast %get3A_7 : vector<1x512x768xbf16> to vector<512x768xbf16>
    %concatenate3A = tpu.concatenate %get3A_3, %get3A_8 in 0 : vector<64x768xbf16>, vector<512x768xbf16> -> vector<576x768xbf16>
    %convert_element_type3A = arith.extf %concatenate3A : vector<576x768xbf16> to vector<576x768xf32>
    %reduce_sum3A = arith.constant dense<0.000000e+00> : vector<576xf32>
    %reduce_sum3A_9 = vector.multi_reduction <add>, %convert_element_type3A, %reduce_sum3A [1] : vector<576x768xf32> to vector<576xf32>
    %broadcast_in_dim3A = vector.shape_cast %reduce_sum3A_9 : vector<576xf32> to vector<576x1xf32>
    %div3A = arith.constant 7.680000e+02 : f32
    %div3A_10 = vector.broadcast %div3A : f32 to vector<576x1xf32>
    %div3A_11 = arith.divf %broadcast_in_dim3A, %div3A_10 : vector<576x1xf32>
    %mul3A = arith.mulf %convert_element_type3A, %convert_element_type3A : vector<576x768xf32>
    %reduce_sum3A_12 = arith.constant dense<0.000000e+00> : vector<576xf32>
    %reduce_sum3A_13 = vector.multi_reduction <add>, %mul3A, %reduce_sum3A_12 [1] : vector<576x768xf32> to vector<576xf32>
    %broadcast_in_dim3A_14 = vector.shape_cast %reduce_sum3A_13 : vector<576xf32> to vector<576x1xf32>
    %div3A_15 = arith.constant 7.680000e+02 : f32
    %div3A_16 = vector.broadcast %div3A_15 : f32 to vector<576x1xf32>
    %div3A_17 = arith.divf %broadcast_in_dim3A_14, %div3A_16 : vector<576x1xf32>
    %mul3A_18 = arith.mulf %div3A_11, %div3A_11 : vector<576x1xf32>
    %sub3A = arith.subf %div3A_17, %mul3A_18 : vector<576x1xf32>
    %sub3A_19 = vector.broadcast %div3A_11 : vector<576x1xf32> to vector<576x768xf32>
    %sub3A_20 = arith.subf %convert_element_type3A, %sub3A_19 : vector<576x768xf32>
    %add3A = arith.constant 9.99999996E-13 : f32
    %add3A_21 = vector.broadcast %add3A : f32 to vector<576x1xf32>
    %add3A_22 = arith.addf %sub3A, %add3A_21 : vector<576x1xf32>
    %rsqrt3A = math.rsqrt %add3A_22 : vector<576x1xf32>
    %mul3A_23 = vector.broadcast %rsqrt3A : vector<576x1xf32> to vector<576x768xf32>
    %mul3A_24 = arith.mulf %sub3A_20, %mul3A_23 : vector<576x768xf32>
    %get3A_25 = arith.constant 0 : index
    %get3A_26 = arith.constant 0 : index
    %get3A_27 = vector.load %arg8[%get3A_25, %get3A_26] : memref<1x768xf32, #tpu.memory_space<vmem>>, vector<1x768xf32>
    %get3A_28 = vector.shape_cast %get3A_27 : vector<1x768xf32> to vector<768xf32>
    %broadcast_in_dim3A_29 = vector.shape_cast %get3A_28 : vector<768xf32> to vector<1x768xf32>
    %mul3A_30 = vector.broadcast %broadcast_in_dim3A_29 : vector<1x768xf32> to vector<576x768xf32>
    %mul3A_31 = arith.mulf %mul3A_24, %mul3A_30 : vector<576x768xf32>
    %get3A_32 = arith.constant 0 : index
    %get3A_33 = arith.constant 0 : index
    %get3A_34 = vector.load %arg9[%get3A_32, %get3A_33] : memref<1x768xf32, #tpu.memory_space<vmem>>, vector<1x768xf32>
    %get3A_35 = vector.shape_cast %get3A_34 : vector<1x768xf32> to vector<768xf32>
    %broadcast_in_dim3A_36 = vector.shape_cast %get3A_35 : vector<768xf32> to vector<1x768xf32>
    %add3A_37 = vector.broadcast %broadcast_in_dim3A_36 : vector<1x768xf32> to vector<576x768xf32>
    %add3A_38 = arith.addf %mul3A_31, %add3A_37 : vector<576x768xf32>
    %convert_element_type3A_39 = arith.truncf %add3A_38 : vector<576x768xf32> to vector<576x768xbf16>
    %slice3A = vector.extract_strided_slice %convert_element_type3A_39 {offsets = [64, 0], sizes = [512, 768], strides = [1, 1]} : vector<576x768xbf16> to vector<512x768xbf16>
    %get3A_40 = arith.constant 0 : index
    %get3A_41 = arith.constant 0 : index
    %get3A_42 = vector.load %arg4[%get3A_40, %get3A_41] : memref<768x768xbf16, #tpu.memory_space<vmem>>, vector<768x768xbf16>
    %dot_general3A = arith.constant dense<0.000000e+00> : vector<512x768xf32>
    %dot_general3A_43 = tpu.matmul %slice3A, %get3A_42, %dot_general3A {dimension_numbers = #tpu.dot_dimension_numbers<[1], [0], [0], [1], [0, 0, 1, 1], [], []>, transpose_lhs_hint = false} : vector<512x768xbf16>, vector<768x768xbf16>, vector<512x768xf32> -> vector<512x768xf32>
    %convert_element_type3A_44 = arith.truncf %dot_general3A_43 : vector<512x768xf32> to vector<512x768xbf16>
    %get3A_45 = arith.constant 0 : index
    %get3A_46 = arith.constant 0 : index
    %get3A_47 = vector.load %arg5[%get3A_45, %get3A_46] : memref<768x768xbf16, #tpu.memory_space<vmem>>, vector<768x768xbf16>
    %dot_general3A_48 = arith.constant dense<0.000000e+00> : vector<576x768xf32>
    %dot_general3A_49 = tpu.matmul %convert_element_type3A_39, %get3A_47, %dot_general3A_48 {dimension_numbers = #tpu.dot_dimension_numbers<[1], [0], [0], [1], [0, 0, 1, 1], [], []>, transpose_lhs_hint = false} : vector<576x768xbf16>, vector<768x768xbf16>, vector<576x768xf32> -> vector<576x768xf32>
    %convert_element_type3A_50 = arith.truncf %dot_general3A_49 : vector<576x768xf32> to vector<576x768xbf16>
    %get3A_51 = arith.constant 0 : index
    %get3A_52 = arith.constant 0 : index
    %get3A_53 = vector.load %arg6[%get3A_51, %get3A_52] : memref<768x768xbf16, #tpu.memory_space<vmem>>, vector<768x768xbf16>
    %dot_general3A_54 = arith.constant dense<0.000000e+00> : vector<576x768xf32>
    %dot_general3A_55 = tpu.matmul %convert_element_type3A_39, %get3A_53, %dot_general3A_54 {dimension_numbers = #tpu.dot_dimension_numbers<[1], [0], [0], [1], [0, 0, 1, 1], [], []>, transpose_lhs_hint = false} : vector<576x768xbf16>, vector<768x768xbf16>, vector<576x768xf32> -> vector<576x768xf32>
    %convert_element_type3A_56 = arith.truncf %dot_general3A_55 : vector<576x768xf32> to vector<576x768xbf16>
    %iota3A = tpu.iota {dimensions = array<i32: 0>} : vector<256x320xi32>
    %iota3A_57 = tpu.iota {dimensions = array<i32: 1>} : vector<256x320xi32>
    %jit3A = arith.constant 64 : i32
    %div3A_58 = vector.broadcast %jit3A : i32 to vector<256x320xi32>
    %div3A_59 = arith.divsi %iota3A_57, %div3A_58 : vector<256x320xi32>
    %sign3A = arith.constant 0 : i32
    %sign3A_60 = vector.broadcast %sign3A : i32 to vector<256x320xi32>
    %sign3A_61 = arith.cmpi sgt, %iota3A_57, %sign3A_60 : vector<256x320xi32>
    %sign3A_62 = arith.extui %sign3A_61 : vector<256x320xi1> to vector<256x320xi32>
    %sign3A_63 = arith.constant 0 : i32
    %sign3A_64 = vector.broadcast %sign3A_63 : i32 to vector<256x320xi32>
    %sign3A_65 = arith.cmpi slt, %iota3A_57, %sign3A_64 : vector<256x320xi32>
    %sign3A_66 = arith.extui %sign3A_65 : vector<256x320xi1> to vector<256x320xi32>
    %sign3A_67 = arith.subi %sign3A_62, %sign3A_66 : vector<256x320xi32>
    %sign3A_68 = arith.constant 0 : i32
    %sign3A_69 = arith.cmpi sgt, %jit3A, %sign3A_68 : i32
    %sign3A_70 = arith.extui %sign3A_69 : i1 to i32
    %sign3A_71 = arith.constant 0 : i32
    %sign3A_72 = arith.cmpi slt, %jit3A, %sign3A_71 : i32
    %sign3A_73 = arith.extui %sign3A_72 : i1 to i32
    %sign3A_74 = arith.subi %sign3A_70, %sign3A_73 : i32
    %ne3A = vector.broadcast %sign3A_74 : i32 to vector<256x320xi32>
    %ne3A_75 = arith.cmpi ne, %sign3A_67, %ne3A : vector<256x320xi32>
    %rem3A = vector.broadcast %jit3A : i32 to vector<256x320xi32>
    %rem3A_76 = arith.remsi %iota3A_57, %rem3A : vector<256x320xi32>
    %ne3A_77 = arith.constant 0 : i32
    %ne3A_78 = vector.broadcast %ne3A_77 : i32 to vector<256x320xi32>
    %ne3A_79 = arith.cmpi ne, %rem3A_76, %ne3A_78 : vector<256x320xi32>
    %and3A = arith.andi %ne3A_75, %ne3A_79 : vector<256x320xi1>
    %sub3A_80 = arith.constant 1 : i32
    %sub3A_81 = vector.broadcast %sub3A_80 : i32 to vector<256x320xi32>
    %sub3A_82 = arith.subi %div3A_59, %sub3A_81 : vector<256x320xi32>
    %select_n3A = arith.select %and3A, %sub3A_82, %div3A_59 : vector<256x320xi1>, vector<256x320xi32>
    %jit3A_83 = arith.constant 64 : i32
    %div3A_84 = vector.broadcast %jit3A_83 : i32 to vector<256x320xi32>
    %div3A_85 = arith.divsi %iota3A, %div3A_84 : vector<256x320xi32>
    %sign3A_86 = arith.constant 0 : i32
    %sign3A_87 = vector.broadcast %sign3A_86 : i32 to vector<256x320xi32>
    %sign3A_88 = arith.cmpi sgt, %iota3A, %sign3A_87 : vector<256x320xi32>
    %sign3A_89 = arith.extui %sign3A_88 : vector<256x320xi1> to vector<256x320xi32>
    %sign3A_90 = arith.constant 0 : i32
    %sign3A_91 = vector.broadcast %sign3A_90 : i32 to vector<256x320xi32>
    %sign3A_92 = arith.cmpi slt, %iota3A, %sign3A_91 : vector<256x320xi32>
    %sign3A_93 = arith.extui %sign3A_92 : vector<256x320xi1> to vector<256x320xi32>
    %sign3A_94 = arith.subi %sign3A_89, %sign3A_93 : vector<256x320xi32>
    %sign3A_95 = arith.constant 0 : i32
    %sign3A_96 = arith.cmpi sgt, %jit3A_83, %sign3A_95 : i32
    %sign3A_97 = arith.extui %sign3A_96 : i1 to i32
    %sign3A_98 = arith.constant 0 : i32
    %sign3A_99 = arith.cmpi slt, %jit3A_83, %sign3A_98 : i32
    %sign3A_100 = arith.extui %sign3A_99 : i1 to i32
    %sign3A_101 = arith.subi %sign3A_97, %sign3A_100 : i32
    %ne3A_102 = vector.broadcast %sign3A_101 : i32 to vector<256x320xi32>
    %ne3A_103 = arith.cmpi ne, %sign3A_94, %ne3A_102 : vector<256x320xi32>
    %rem3A_104 = vector.broadcast %jit3A_83 : i32 to vector<256x320xi32>
    %rem3A_105 = arith.remsi %iota3A, %rem3A_104 : vector<256x320xi32>
    %ne3A_106 = arith.constant 0 : i32
    %ne3A_107 = vector.broadcast %ne3A_106 : i32 to vector<256x320xi32>
    %ne3A_108 = arith.cmpi ne, %rem3A_105, %ne3A_107 : vector<256x320xi32>
    %and3A_109 = arith.andi %ne3A_103, %ne3A_108 : vector<256x320xi1>
    %sub3A_110 = arith.constant 1 : i32
    %sub3A_111 = vector.broadcast %sub3A_110 : i32 to vector<256x320xi32>
    %sub3A_112 = arith.subi %div3A_85, %sub3A_111 : vector<256x320xi32>
    %select_n3A_113 = arith.select %and3A_109, %sub3A_112, %div3A_85 : vector<256x320xi1>, vector<256x320xi32>
    %sub3A_114 = arith.subi %select_n3A, %select_n3A_113 : vector<256x320xi32>
    %eq3A = arith.constant 0 : i32
    %eq3A_115 = vector.broadcast %eq3A : i32 to vector<256x320xi32>
    %eq3A_116 = arith.cmpi eq, %sub3A_114, %eq3A_115 : vector<256x320xi32>
    %eq3A_117 = arith.constant 1 : i32
    %eq3A_118 = vector.broadcast %eq3A_117 : i32 to vector<256x320xi32>
    %eq3A_119 = arith.cmpi eq, %sub3A_114, %eq3A_118 : vector<256x320xi32>
    %or3A = arith.ori %eq3A_116, %eq3A_119 : vector<256x320xi1>
    %jit3A_120 = arith.constant 0.000000e+00 : f32
    %jit3A_121 = arith.constant -1.000000e+30 : f32
    %broadcast_in_dim3A_122 = vector.broadcast %jit3A_120 : f32 to vector<256x320xf32>
    %broadcast_in_dim3A_123 = vector.broadcast %jit3A_121 : f32 to vector<256x320xf32>
    %select_n3A_124 = arith.select %or3A, %broadcast_in_dim3A_122, %broadcast_in_dim3A_123 : vector<256x320xi1>, vector<256x320xf32>
    %broadcast_in_dim3A_125 = arith.constant 0.000000e+00 : f32
    %broadcast_in_dim3A_126 = vector.broadcast %broadcast_in_dim3A_125 : f32 to vector<512x768xf32>
    %slice3A_127 = vector.extract_strided_slice %convert_element_type3A_44 {offsets = [0, 0], sizes = [512, 64], strides = [1, 1]} : vector<512x768xbf16> to vector<512x64xbf16>
    %slice3A_128 = vector.extract_strided_slice %convert_element_type3A_50 {offsets = [0, 0], sizes = [576, 64], strides = [1, 1]} : vector<576x768xbf16> to vector<576x64xbf16>
    %slice3A_129 = vector.extract_strided_slice %convert_element_type3A_56 {offsets = [0, 0], sizes = [576, 64], strides = [1, 1]} : vector<576x768xbf16> to vector<576x64xbf16>
    %slice3A_130 = vector.extract_strided_slice %slice3A_127 {offsets = [0, 0], sizes = [256, 64], strides = [1, 1]} : vector<512x64xbf16> to vector<256x64xbf16>
    %slice3A_131 = vector.extract_strided_slice %slice3A_128 {offsets = [0, 0], sizes = [320, 64], strides = [1, 1]} : vector<576x64xbf16> to vector<320x64xbf16>
    %slice3A_132 = vector.extract_strided_slice %slice3A_129 {offsets = [0, 0], sizes = [320, 64], strides = [1, 1]} : vector<576x64xbf16> to vector<320x64xbf16>
    %dot_general3A_133 = arith.constant dense<0.000000e+00> : vector<256x320xf32>
    %dot_general3A_134 = tpu.matmul %slice3A_130, %slice3A_131, %dot_general3A_133 {dimension_numbers = #tpu.dot_dimension_numbers<[1], [1], [0], [0], [0, 0, 1, 0], [], []>, transpose_lhs_hint = false} : vector<256x64xbf16>, vector<320x64xbf16>, vector<256x320xf32> -> vector<256x320xf32>
    %add3A_135 = arith.addf %dot_general3A_134, %select_n3A_124 : vector<256x320xf32>
    %exp3A = math.exp %add3A_135 : vector<256x320xf32>
    %reduce_sum3A_136 = arith.constant dense<0.000000e+00> : vector<256xf32>
    %reduce_sum3A_137 = vector.multi_reduction <add>, %exp3A, %reduce_sum3A_136 [1] : vector<256x320xf32> to vector<256xf32>
    %broadcast_in_dim3A_138 = vector.shape_cast %reduce_sum3A_137 : vector<256xf32> to vector<256x1xf32>
    %convert_element_type3A_139 = arith.truncf %exp3A : vector<256x320xf32> to vector<256x320xbf16>
    %dot_general3A_140 = arith.constant dense<0.000000e+00> : vector<256x64xf32>
    %dot_general3A_141 = tpu.matmul %convert_element_type3A_139, %slice3A_132, %dot_general3A_140 {dimension_numbers = #tpu.dot_dimension_numbers<[1], [0], [0], [1], [0, 0, 1, 1], [], []>, transpose_lhs_hint = false} : vector<256x320xbf16>, vector<320x64xbf16>, vector<256x64xf32> -> vector<256x64xf32>
    %div3A_142 = vector.broadcast %broadcast_in_dim3A_138 : vector<256x1xf32> to vector<256x64xf32>
    %div3A_143 = arith.divf %dot_general3A_141, %div3A_142 : vector<256x64xf32>
    %slice3A_144 = vector.extract_strided_slice %slice3A_127 {offsets = [256, 0], sizes = [256, 64], strides = [1, 1]} : vector<512x64xbf16> to vector<256x64xbf16>
    %slice3A_145 = vector.extract_strided_slice %slice3A_128 {offsets = [256, 0], sizes = [320, 64], strides = [1, 1]} : vector<576x64xbf16> to vector<320x64xbf16>
    %slice3A_146 = vector.extract_strided_slice %slice3A_129 {offsets = [256, 0], sizes = [320, 64], strides = [1, 1]} : vector<576x64xbf16> to vector<320x64xbf16>
    %dot_general3A_147 = arith.constant dense<0.000000e+00> : vector<256x320xf32>
    %dot_general3A_148 = tpu.matmul %slice3A_144, %slice3A_145, %dot_general3A_147 {dimension_numbers = #tpu.dot_dimension_numbers<[1], [1], [0], [0], [0, 0, 1, 0], [], []>, transpose_lhs_hint = false} : vector<256x64xbf16>, vector<320x64xbf16>, vector<256x320xf32> -> vector<256x320xf32>
    %add3A_149 = arith.addf %dot_general3A_148, %select_n3A_124 : vector<256x320xf32>
    %exp3A_150 = math.exp %add3A_149 : vector<256x320xf32>
    %reduce_sum3A_151 = arith.constant dense<0.000000e+00> : vector<256xf32>
    %reduce_sum3A_152 = vector.multi_reduction <add>, %exp3A_150, %reduce_sum3A_151 [1] : vector<256x320xf32> to vector<256xf32>
    %broadcast_in_dim3A_153 = vector.shape_cast %reduce_sum3A_152 : vector<256xf32> to vector<256x1xf32>
    %convert_element_type3A_154 = arith.truncf %exp3A_150 : vector<256x320xf32> to vector<256x320xbf16>
    %dot_general3A_155 = arith.constant dense<0.000000e+00> : vector<256x64xf32>
    %dot_general3A_156 = tpu.matmul %convert_element_type3A_154, %slice3A_146, %dot_general3A_155 {dimension_numbers = #tpu.dot_dimension_numbers<[1], [0], [0], [1], [0, 0, 1, 1], [], []>, transpose_lhs_hint = false} : vector<256x320xbf16>, vector<320x64xbf16>, vector<256x64xf32> -> vector<256x64xf32>
    %div3A_157 = vector.broadcast %broadcast_in_dim3A_153 : vector<256x1xf32> to vector<256x64xf32>
    %div3A_158 = arith.divf %dot_general3A_156, %div3A_157 : vector<256x64xf32>
    %concatenate3A_159 = tpu.concatenate %div3A_143, %div3A_158 in 0 : vector<256x64xf32>, vector<256x64xf32> -> vector<512x64xf32>
    %convert_element_type3A_160 = arith.truncf %concatenate3A_159 : vector<512x64xf32> to vector<512x64xbf16>
    %get3A_161 = arith.constant 0 : index
    %get3A_162 = arith.constant 0 : index
    %get3A_163 = vector.load %arg7[%get3A_161, %get3A_162] : memref<768x768xbf16, #tpu.memory_space<vmem>>, vector<64x768xbf16>
    %dot_general3A_164 = arith.constant dense<0.000000e+00> : vector<512x768xf32>
    %dot_general3A_165 = tpu.matmul %convert_element_type3A_160, %get3A_163, %dot_general3A_164 {dimension_numbers = #tpu.dot_dimension_numbers<[1], [0], [0], [1], [0, 0, 1, 1], [], []>, transpose_lhs_hint = false} : vector<512x64xbf16>, vector<64x768xbf16>, vector<512x768xf32> -> vector<512x768xf32>
    %add3A_166 = arith.addf %broadcast_in_dim3A_126, %dot_general3A_165 : vector<512x768xf32>
    %slice3A_167 = vector.extract_strided_slice %convert_element_type3A_44 {offsets = [0, 64], sizes = [512, 64], strides = [1, 1]} : vector<512x768xbf16> to vector<512x64xbf16>
    %slice3A_168 = vector.extract_strided_slice %convert_element_type3A_50 {offsets = [0, 64], sizes = [576, 64], strides = [1, 1]} : vector<576x768xbf16> to vector<576x64xbf16>
    %slice3A_169 = vector.extract_strided_slice %convert_element_type3A_56 {offsets = [0, 64], sizes = [576, 64], strides = [1, 1]} : vector<576x768xbf16> to vector<576x64xbf16>
    %slice3A_170 = vector.extract_strided_slice %slice3A_167 {offsets = [0, 0], sizes = [256, 64], strides = [1, 1]} : vector<512x64xbf16> to vector<256x64xbf16>
    %slice3A_171 = vector.extract_strided_slice %slice3A_168 {offsets = [0, 0], sizes = [320, 64], strides = [1, 1]} : vector<576x64xbf16> to vector<320x64xbf16>
    %slice3A_172 = vector.extract_strided_slice %slice3A_169 {offsets = [0, 0], sizes = [320, 64], strides = [1, 1]} : vector<576x64xbf16> to vector<320x64xbf16>
    %dot_general3A_173 = arith.constant dense<0.000000e+00> : vector<256x320xf32>
    %dot_general3A_174 = tpu.matmul %slice3A_170, %slice3A_171, %dot_general3A_173 {dimension_numbers = #tpu.dot_dimension_numbers<[1], [1], [0], [0], [0, 0, 1, 0], [], []>, transpose_lhs_hint = false} : vector<256x64xbf16>, vector<320x64xbf16>, vector<256x320xf32> -> vector<256x320xf32>
    %add3A_175 = arith.addf %dot_general3A_174, %select_n3A_124 : vector<256x320xf32>
    %exp3A_176 = math.exp %add3A_175 : vector<256x320xf32>
    %reduce_sum3A_177 = arith.constant dense<0.000000e+00> : vector<256xf32>
    %reduce_sum3A_178 = vector.multi_reduction <add>, %exp3A_176, %reduce_sum3A_177 [1] : vector<256x320xf32> to vector<256xf32>
    %broadcast_in_dim3A_179 = vector.shape_cast %reduce_sum3A_178 : vector<256xf32> to vector<256x1xf32>
    %convert_element_type3A_180 = arith.truncf %exp3A_176 : vector<256x320xf32> to vector<256x320xbf16>
    %dot_general3A_181 = arith.constant dense<0.000000e+00> : vector<256x64xf32>
    %dot_general3A_182 = tpu.matmul %convert_element_type3A_180, %slice3A_172, %dot_general3A_181 {dimension_numbers = #tpu.dot_dimension_numbers<[1], [0], [0], [1], [0, 0, 1, 1], [], []>, transpose_lhs_hint = false} : vector<256x320xbf16>, vector<320x64xbf16>, vector<256x64xf32> -> vector<256x64xf32>
    %div3A_183 = vector.broadcast %broadcast_in_dim3A_179 : vector<256x1xf32> to vector<256x64xf32>
    %div3A_184 = arith.divf %dot_general3A_182, %div3A_183 : vector<256x64xf32>
    %slice3A_185 = vector.extract_strided_slice %slice3A_167 {offsets = [256, 0], sizes = [256, 64], strides = [1, 1]} : vector<512x64xbf16> to vector<256x64xbf16>
    %slice3A_186 = vector.extract_strided_slice %slice3A_168 {offsets = [256, 0], sizes = [320, 64], strides = [1, 1]} : vector<576x64xbf16> to vector<320x64xbf16>
    %slice3A_187 = vector.extract_strided_slice %slice3A_169 {offsets = [256, 0], sizes = [320, 64], strides = [1, 1]} : vector<576x64xbf16> to vector<320x64xbf16>
    %dot_general3A_188 = arith.constant dense<0.000000e+00> : vector<256x320xf32>
    %dot_general3A_189 = tpu.matmul %slice3A_185, %slice3A_186, %dot_general3A_188 {dimension_numbers = #tpu.dot_dimension_numbers<[1], [1], [0], [0], [0, 0, 1, 0], [], []>, transpose_lhs_hint = false} : vector<256x64xbf16>, vector<320x64xbf16>, vector<256x320xf32> -> vector<256x320xf32>
    %add3A_190 = arith.addf %dot_general3A_189, %select_n3A_124 : vector<256x320xf32>
    %exp3A_191 = math.exp %add3A_190 : vector<256x320xf32>
    %reduce_sum3A_192 = arith.constant dense<0.000000e+00> : vector<256xf32>
    %reduce_sum3A_193 = vector.multi_reduction <add>, %exp3A_191, %reduce_sum3A_192 [1] : vector<256x320xf32> to vector<256xf32>
    %broadcast_in_dim3A_194 = vector.shape_cast %reduce_sum3A_193 : vector<256xf32> to vector<256x1xf32>
    %convert_element_type3A_195 = arith.truncf %exp3A_191 : vector<256x320xf32> to vector<256x320xbf16>
    %dot_general3A_196 = arith.constant dense<0.000000e+00> : vector<256x64xf32>
    %dot_general3A_197 = tpu.matmul %convert_element_type3A_195, %slice3A_187, %dot_general3A_196 {dimension_numbers = #tpu.dot_dimension_numbers<[1], [0], [0], [1], [0, 0, 1, 1], [], []>, transpose_lhs_hint = false} : vector<256x320xbf16>, vector<320x64xbf16>, vector<256x64xf32> -> vector<256x64xf32>
    %div3A_198 = vector.broadcast %broadcast_in_dim3A_194 : vector<256x1xf32> to vector<256x64xf32>
    %div3A_199 = arith.divf %dot_general3A_197, %div3A_198 : vector<256x64xf32>
    %concatenate3A_200 = tpu.concatenate %div3A_184, %div3A_199 in 0 : vector<256x64xf32>, vector<256x64xf32> -> vector<512x64xf32>
    %convert_element_type3A_201 = arith.truncf %concatenate3A_200 : vector<512x64xf32> to vector<512x64xbf16>
    %get3A_202 = arith.constant 64 : index
    %get3A_203 = arith.constant 0 : index
    %get3A_204 = vector.load %arg7[%get3A_202, %get3A_203] : memref<768x768xbf16, #tpu.memory_space<vmem>>, vector<64x768xbf16>
    %dot_general3A_205 = arith.constant dense<0.000000e+00> : vector<512x768xf32>
    %dot_general3A_206 = tpu.matmul %convert_element_type3A_201, %get3A_204, %dot_general3A_205 {dimension_numbers = #tpu.dot_dimension_numbers<[1], [0], [0], [1], [0, 0, 1, 1], [], []>, transpose_lhs_hint = false} : vector<512x64xbf16>, vector<64x768xbf16>, vector<512x768xf32> -> vector<512x768xf32>
    %add3A_207 = arith.addf %add3A_166, %dot_general3A_206 : vector<512x768xf32>
    %slice3A_208 = vector.extract_strided_slice %convert_element_type3A_44 {offsets = [0, 128], sizes = [512, 64], strides = [1, 1]} : vector<512x768xbf16> to vector<512x64xbf16>
    %slice3A_209 = vector.extract_strided_slice %convert_element_type3A_50 {offsets = [0, 128], sizes = [576, 64], strides = [1, 1]} : vector<576x768xbf16> to vector<576x64xbf16>
    %slice3A_210 = vector.extract_strided_slice %convert_element_type3A_56 {offsets = [0, 128], sizes = [576, 64], strides = [1, 1]} : vector<576x768xbf16> to vector<576x64xbf16>
    %slice3A_211 = vector.extract_strided_slice %slice3A_208 {offsets = [0, 0], sizes = [256, 64], strides = [1, 1]} : vector<512x64xbf16> to vector<256x64xbf16>
    %slice3A_212 = vector.extract_strided_slice %slice3A_209 {offsets = [0, 0], sizes = [320, 64], strides = [1, 1]} : vector<576x64xbf16> to vector<320x64xbf16>
    %slice3A_213 = vector.extract_strided_slice %slice3A_210 {offsets = [0, 0], sizes = [320, 64], strides = [1, 1]} : vector<576x64xbf16> to vector<320x64xbf16>
    %dot_general3A_214 = arith.constant dense<0.000000e+00> : vector<256x320xf32>
    %dot_general3A_215 = tpu.matmul %slice3A_211, %slice3A_212, %dot_general3A_214 {dimension_numbers = #tpu.dot_dimension_numbers<[1], [1], [0], [0], [0, 0, 1, 0], [], []>, transpose_lhs_hint = false} : vector<256x64xbf16>, vector<320x64xbf16>, vector<256x320xf32> -> vector<256x320xf32>
    %add3A_216 = arith.addf %dot_general3A_215, %select_n3A_124 : vector<256x320xf32>
    %exp3A_217 = math.exp %add3A_216 : vector<256x320xf32>
    %reduce_sum3A_218 = arith.constant dense<0.000000e+00> : vector<256xf32>
    %reduce_sum3A_219 = vector.multi_reduction <add>, %exp3A_217, %reduce_sum3A_218 [1] : vector<256x320xf32> to vector<256xf32>
    %broadcast_in_dim3A_220 = vector.shape_cast %reduce_sum3A_219 : vector<256xf32> to vector<256x1xf32>
    %convert_element_type3A_221 = arith.truncf %exp3A_217 : vector<256x320xf32> to vector<256x320xbf16>
    %dot_general3A_222 = arith.constant dense<0.000000e+00> : vector<256x64xf32>
    %dot_general3A_223 = tpu.matmul %convert_element_type3A_221, %slice3A_213, %dot_general3A_222 {dimension_numbers = #tpu.dot_dimension_numbers<[1], [0], [0], [1], [0, 0, 1, 1], [], []>, transpose_lhs_hint = false} : vector<256x320xbf16>, vector<320x64xbf16>, vector<256x64xf32> -> vector<256x64xf32>
    %div3A_224 = vector.broadcast %broadcast_in_dim3A_220 : vector<256x1xf32> to vector<256x64xf32>
    %div3A_225 = arith.divf %dot_general3A_223, %div3A_224 : vector<256x64xf32>
    %slice3A_226 = vector.extract_strided_slice %slice3A_208 {offsets = [256, 0], sizes = [256, 64], strides = [1, 1]} : vector<512x64xbf16> to vector<256x64xbf16>
    %slice3A_227 = vector.extract_strided_slice %slice3A_209 {offsets = [256, 0], sizes = [320, 64], strides = [1, 1]} : vector<576x64xbf16> to vector<320x64xbf16>
    %slice3A_228 = vector.extract_strided_slice %slice3A_210 {offsets = [256, 0], sizes = [320, 64], strides = [1, 1]} : vector<576x64xbf16> to vector<320x64xbf16>
    %dot_general3A_229 = arith.constant dense<0.000000e+00> : vector<256x320xf32>
    %dot_general3A_230 = tpu.matmul %slice3A_226, %slice3A_227, %dot_general3A_229 {dimension_numbers = #tpu.dot_dimension_numbers<[1], [1], [0], [0], [0, 0, 1, 0], [], []>, transpose_lhs_hint = false} : vector<256x64xbf16>, vector<320x64xbf16>, vector<256x320xf32> -> vector<256x320xf32>
    %add3A_231 = arith.addf %dot_general3A_230, %select_n3A_124 : vector<256x320xf32>
    %exp3A_232 = math.exp %add3A_231 : vector<256x320xf32>
    %reduce_sum3A_233 = arith.constant dense<0.000000e+00> : vector<256xf32>
    %reduce_sum3A_234 = vector.multi_reduction <add>, %exp3A_232, %reduce_sum3A_233 [1] : vector<256x320xf32> to vector<256xf32>
    %broadcast_in_dim3A_235 = vector.shape_cast %reduce_sum3A_234 : vector<256xf32> to vector<256x1xf32>
    %convert_element_type3A_236 = arith.truncf %exp3A_232 : vector<256x320xf32> to vector<256x320xbf16>
    %dot_general3A_237 = arith.constant dense<0.000000e+00> : vector<256x64xf32>
    %dot_general3A_238 = tpu.matmul %convert_element_type3A_236, %slice3A_228, %dot_general3A_237 {dimension_numbers = #tpu.dot_dimension_numbers<[1], [0], [0], [1], [0, 0, 1, 1], [], []>, transpose_lhs_hint = false} : vector<256x320xbf16>, vector<320x64xbf16>, vector<256x64xf32> -> vector<256x64xf32>
    %div3A_239 = vector.broadcast %broadcast_in_dim3A_235 : vector<256x1xf32> to vector<256x64xf32>
    %div3A_240 = arith.divf %dot_general3A_238, %div3A_239 : vector<256x64xf32>
    %concatenate3A_241 = tpu.concatenate %div3A_225, %div3A_240 in 0 : vector<256x64xf32>, vector<256x64xf32> -> vector<512x64xf32>
    %convert_element_type3A_242 = arith.truncf %concatenate3A_241 : vector<512x64xf32> to vector<512x64xbf16>
    %get3A_243 = arith.constant 128 : index
    %get3A_244 = arith.constant 0 : index
    %get3A_245 = vector.load %arg7[%get3A_243, %get3A_244] : memref<768x768xbf16, #tpu.memory_space<vmem>>, vector<64x768xbf16>
    %dot_general3A_246 = arith.constant dense<0.000000e+00> : vector<512x768xf32>
    %dot_general3A_247 = tpu.matmul %convert_element_type3A_242, %get3A_245, %dot_general3A_246 {dimension_numbers = #tpu.dot_dimension_numbers<[1], [0], [0], [1], [0, 0, 1, 1], [], []>, transpose_lhs_hint = false} : vector<512x64xbf16>, vector<64x768xbf16>, vector<512x768xf32> -> vector<512x768xf32>
    %add3A_248 = arith.addf %add3A_207, %dot_general3A_247 : vector<512x768xf32>
    %slice3A_249 = vector.extract_strided_slice %convert_element_type3A_44 {offsets = [0, 192], sizes = [512, 64], strides = [1, 1]} : vector<512x768xbf16> to vector<512x64xbf16>
    %slice3A_250 = vector.extract_strided_slice %convert_element_type3A_50 {offsets = [0, 192], sizes = [576, 64], strides = [1, 1]} : vector<576x768xbf16> to vector<576x64xbf16>
    %slice3A_251 = vector.extract_strided_slice %convert_element_type3A_56 {offsets = [0, 192], sizes = [576, 64], strides = [1, 1]} : vector<576x768xbf16> to vector<576x64xbf16>
    %slice3A_252 = vector.extract_strided_slice %slice3A_249 {offsets = [0, 0], sizes = [256, 64], strides = [1, 1]} : vector<512x64xbf16> to vector<256x64xbf16>
    %slice3A_253 = vector.extract_strided_slice %slice3A_250 {offsets = [0, 0], sizes = [320, 64], strides = [1, 1]} : vector<576x64xbf16> to vector<320x64xbf16>
    %slice3A_254 = vector.extract_strided_slice %slice3A_251 {offsets = [0, 0], sizes = [320, 64], strides = [1, 1]} : vector<576x64xbf16> to vector<320x64xbf16>
    %dot_general3A_255 = arith.constant dense<0.000000e+00> : vector<256x320xf32>
    %dot_general3A_256 = tpu.matmul %slice3A_252, %slice3A_253, %dot_general3A_255 {dimension_numbers = #tpu.dot_dimension_numbers<[1], [1], [0], [0], [0, 0, 1, 0], [], []>, transpose_lhs_hint = false} : vector<256x64xbf16>, vector<320x64xbf16>, vector<256x320xf32> -> vector<256x320xf32>
    %add3A_257 = arith.addf %dot_general3A_256, %select_n3A_124 : vector<256x320xf32>
    %exp3A_258 = math.exp %add3A_257 : vector<256x320xf32>
    %reduce_sum3A_259 = arith.constant dense<0.000000e+00> : vector<256xf32>
    %reduce_sum3A_260 = vector.multi_reduction <add>, %exp3A_258, %reduce_sum3A_259 [1] : vector<256x320xf32> to vector<256xf32>
    %broadcast_in_dim3A_261 = vector.shape_cast %reduce_sum3A_260 : vector<256xf32> to vector<256x1xf32>
    %convert_element_type3A_262 = arith.truncf %exp3A_258 : vector<256x320xf32> to vector<256x320xbf16>
    %dot_general3A_263 = arith.constant dense<0.000000e+00> : vector<256x64xf32>
    %dot_general3A_264 = tpu.matmul %convert_element_type3A_262, %slice3A_254, %dot_general3A_263 {dimension_numbers = #tpu.dot_dimension_numbers<[1], [0], [0], [1], [0, 0, 1, 1], [], []>, transpose_lhs_hint = false} : vector<256x320xbf16>, vector<320x64xbf16>, vector<256x64xf32> -> vector<256x64xf32>
    %div3A_265 = vector.broadcast %broadcast_in_dim3A_261 : vector<256x1xf32> to vector<256x64xf32>
    %div3A_266 = arith.divf %dot_general3A_264, %div3A_265 : vector<256x64xf32>
    %slice3A_267 = vector.extract_strided_slice %slice3A_249 {offsets = [256, 0], sizes = [256, 64], strides = [1, 1]} : vector<512x64xbf16> to vector<256x64xbf16>
    %slice3A_268 = vector.extract_strided_slice %slice3A_250 {offsets = [256, 0], sizes = [320, 64], strides = [1, 1]} : vector<576x64xbf16> to vector<320x64xbf16>
    %slice3A_269 = vector.extract_strided_slice %slice3A_251 {offsets = [256, 0], sizes = [320, 64], strides = [1, 1]} : vector<576x64xbf16> to vector<320x64xbf16>
    %dot_general3A_270 = arith.constant dense<0.000000e+00> : vector<256x320xf32>
    %dot_general3A_271 = tpu.matmul %slice3A_267, %slice3A_268, %dot_general3A_270 {dimension_numbers = #tpu.dot_dimension_numbers<[1], [1], [0], [0], [0, 0, 1, 0], [], []>, transpose_lhs_hint = false} : vector<256x64xbf16>, vector<320x64xbf16>, vector<256x320xf32> -> vector<256x320xf32>
    %add3A_272 = arith.addf %dot_general3A_271, %select_n3A_124 : vector<256x320xf32>
    %exp3A_273 = math.exp %add3A_272 : vector<256x320xf32>
    %reduce_sum3A_274 = arith.constant dense<0.000000e+00> : vector<256xf32>
    %reduce_sum3A_275 = vector.multi_reduction <add>, %exp3A_273, %reduce_sum3A_274 [1] : vector<256x320xf32> to vector<256xf32>
    %broadcast_in_dim3A_276 = vector.shape_cast %reduce_sum3A_275 : vector<256xf32> to vector<256x1xf32>
    %convert_element_type3A_277 = arith.truncf %exp3A_273 : vector<256x320xf32> to vector<256x320xbf16>
    %dot_general3A_278 = arith.constant dense<0.000000e+00> : vector<256x64xf32>
    %dot_general3A_279 = tpu.matmul %convert_element_type3A_277, %slice3A_269, %dot_general3A_278 {dimension_numbers = #tpu.dot_dimension_numbers<[1], [0], [0], [1], [0, 0, 1, 1], [], []>, transpose_lhs_hint = false} : vector<256x320xbf16>, vector<320x64xbf16>, vector<256x64xf32> -> vector<256x64xf32>
    %div3A_280 = vector.broadcast %broadcast_in_dim3A_276 : vector<256x1xf32> to vector<256x64xf32>
    %div3A_281 = arith.divf %dot_general3A_279, %div3A_280 : vector<256x64xf32>
    %concatenate3A_282 = tpu.concatenate %div3A_266, %div3A_281 in 0 : vector<256x64xf32>, vector<256x64xf32> -> vector<512x64xf32>
    %convert_element_type3A_283 = arith.truncf %concatenate3A_282 : vector<512x64xf32> to vector<512x64xbf16>
    %get3A_284 = arith.constant 192 : index
    %get3A_285 = arith.constant 0 : index
    %get3A_286 = vector.load %arg7[%get3A_284, %get3A_285] : memref<768x768xbf16, #tpu.memory_space<vmem>>, vector<64x768xbf16>
    %dot_general3A_287 = arith.constant dense<0.000000e+00> : vector<512x768xf32>
    %dot_general3A_288 = tpu.matmul %convert_element_type3A_283, %get3A_286, %dot_general3A_287 {dimension_numbers = #tpu.dot_dimension_numbers<[1], [0], [0], [1], [0, 0, 1, 1], [], []>, transpose_lhs_hint = false} : vector<512x64xbf16>, vector<64x768xbf16>, vector<512x768xf32> -> vector<512x768xf32>
    %add3A_289 = arith.addf %add3A_248, %dot_general3A_288 : vector<512x768xf32>
    %slice3A_290 = vector.extract_strided_slice %convert_element_type3A_44 {offsets = [0, 256], sizes = [512, 64], strides = [1, 1]} : vector<512x768xbf16> to vector<512x64xbf16>
    %slice3A_291 = vector.extract_strided_slice %convert_element_type3A_50 {offsets = [0, 256], sizes = [576, 64], strides = [1, 1]} : vector<576x768xbf16> to vector<576x64xbf16>
    %slice3A_292 = vector.extract_strided_slice %convert_element_type3A_56 {offsets = [0, 256], sizes = [576, 64], strides = [1, 1]} : vector<576x768xbf16> to vector<576x64xbf16>
    %slice3A_293 = vector.extract_strided_slice %slice3A_290 {offsets = [0, 0], sizes = [256, 64], strides = [1, 1]} : vector<512x64xbf16> to vector<256x64xbf16>
    %slice3A_294 = vector.extract_strided_slice %slice3A_291 {offsets = [0, 0], sizes = [320, 64], strides = [1, 1]} : vector<576x64xbf16> to vector<320x64xbf16>
    %slice3A_295 = vector.extract_strided_slice %slice3A_292 {offsets = [0, 0], sizes = [320, 64], strides = [1, 1]} : vector<576x64xbf16> to vector<320x64xbf16>
    %dot_general3A_296 = arith.constant dense<0.000000e+00> : vector<256x320xf32>
    %dot_general3A_297 = tpu.matmul %slice3A_293, %slice3A_294, %dot_general3A_296 {dimension_numbers = #tpu.dot_dimension_numbers<[1], [1], [0], [0], [0, 0, 1, 0], [], []>, transpose_lhs_hint = false} : vector<256x64xbf16>, vector<320x64xbf16>, vector<256x320xf32> -> vector<256x320xf32>
    %add3A_298 = arith.addf %dot_general3A_297, %select_n3A_124 : vector<256x320xf32>
    %exp3A_299 = math.exp %add3A_298 : vector<256x320xf32>
    %reduce_sum3A_300 = arith.constant dense<0.000000e+00> : vector<256xf32>
    %reduce_sum3A_301 = vector.multi_reduction <add>, %exp3A_299, %reduce_sum3A_300 [1] : vector<256x320xf32> to vector<256xf32>
    %broadcast_in_dim3A_302 = vector.shape_cast %reduce_sum3A_301 : vector<256xf32> to vector<256x1xf32>
    %convert_element_type3A_303 = arith.truncf %exp3A_299 : vector<256x320xf32> to vector<256x320xbf16>
    %dot_general3A_304 = arith.constant dense<0.000000e+00> : vector<256x64xf32>
    %dot_general3A_305 = tpu.matmul %convert_element_type3A_303, %slice3A_295, %dot_general3A_304 {dimension_numbers = #tpu.dot_dimension_numbers<[1], [0], [0], [1], [0, 0, 1, 1], [], []>, transpose_lhs_hint = false} : vector<256x320xbf16>, vector<320x64xbf16>, vector<256x64xf32> -> vector<256x64xf32>
    %div3A_306 = vector.broadcast %broadcast_in_dim3A_302 : vector<256x1xf32> to vector<256x64xf32>
    %div3A_307 = arith.divf %dot_general3A_305, %div3A_306 : vector<256x64xf32>
    %slice3A_308 = vector.extract_strided_slice %slice3A_290 {offsets = [256, 0], sizes = [256, 64], strides = [1, 1]} : vector<512x64xbf16> to vector<256x64xbf16>
    %slice3A_309 = vector.extract_strided_slice %slice3A_291 {offsets = [256, 0], sizes = [320, 64], strides = [1, 1]} : vector<576x64xbf16> to vector<320x64xbf16>
    %slice3A_310 = vector.extract_strided_slice %slice3A_292 {offsets = [256, 0], sizes = [320, 64], strides = [1, 1]} : vector<576x64xbf16> to vector<320x64xbf16>
    %dot_general3A_311 = arith.constant dense<0.000000e+00> : vector<256x320xf32>
    %dot_general3A_312 = tpu.matmul %slice3A_308, %slice3A_309, %dot_general3A_311 {dimension_numbers = #tpu.dot_dimension_numbers<[1], [1], [0], [0], [0, 0, 1, 0], [], []>, transpose_lhs_hint = false} : vector<256x64xbf16>, vector<320x64xbf16>, vector<256x320xf32> -> vector<256x320xf32>
    %add3A_313 = arith.addf %dot_general3A_312, %select_n3A_124 : vector<256x320xf32>
    %exp3A_314 = math.exp %add3A_313 : vector<256x320xf32>
    %reduce_sum3A_315 = arith.constant dense<0.000000e+00> : vector<256xf32>
    %reduce_sum3A_316 = vector.multi_reduction <add>, %exp3A_314, %reduce_sum3A_315 [1] : vector<256x320xf32> to vector<256xf32>
    %broadcast_in_dim3A_317 = vector.shape_cast %reduce_sum3A_316 : vector<256xf32> to vector<256x1xf32>
    %convert_element_type3A_318 = arith.truncf %exp3A_314 : vector<256x320xf32> to vector<256x320xbf16>
    %dot_general3A_319 = arith.constant dense<0.000000e+00> : vector<256x64xf32>
    %dot_general3A_320 = tpu.matmul %convert_element_type3A_318, %slice3A_310, %dot_general3A_319 {dimension_numbers = #tpu.dot_dimension_numbers<[1], [0], [0], [1], [0, 0, 1, 1], [], []>, transpose_lhs_hint = false} : vector<256x320xbf16>, vector<320x64xbf16>, vector<256x64xf32> -> vector<256x64xf32>
    %div3A_321 = vector.broadcast %broadcast_in_dim3A_317 : vector<256x1xf32> to vector<256x64xf32>
    %div3A_322 = arith.divf %dot_general3A_320, %div3A_321 : vector<256x64xf32>
    %concatenate3A_323 = tpu.concatenate %div3A_307, %div3A_322 in 0 : vector<256x64xf32>, vector<256x64xf32> -> vector<512x64xf32>
    %convert_element_type3A_324 = arith.truncf %concatenate3A_323 : vector<512x64xf32> to vector<512x64xbf16>
    %get3A_325 = arith.constant 256 : index
    %get3A_326 = arith.constant 0 : index
    %get3A_327 = vector.load %arg7[%get3A_325, %get3A_326] : memref<768x768xbf16, #tpu.memory_space<vmem>>, vector<64x768xbf16>
    %dot_general3A_328 = arith.constant dense<0.000000e+00> : vector<512x768xf32>
    %dot_general3A_329 = tpu.matmul %convert_element_type3A_324, %get3A_327, %dot_general3A_328 {dimension_numbers = #tpu.dot_dimension_numbers<[1], [0], [0], [1], [0, 0, 1, 1], [], []>, transpose_lhs_hint = false} : vector<512x64xbf16>, vector<64x768xbf16>, vector<512x768xf32> -> vector<512x768xf32>
    %add3A_330 = arith.addf %add3A_289, %dot_general3A_329 : vector<512x768xf32>
    %slice3A_331 = vector.extract_strided_slice %convert_element_type3A_44 {offsets = [0, 320], sizes = [512, 64], strides = [1, 1]} : vector<512x768xbf16> to vector<512x64xbf16>
    %slice3A_332 = vector.extract_strided_slice %convert_element_type3A_50 {offsets = [0, 320], sizes = [576, 64], strides = [1, 1]} : vector<576x768xbf16> to vector<576x64xbf16>
    %slice3A_333 = vector.extract_strided_slice %convert_element_type3A_56 {offsets = [0, 320], sizes = [576, 64], strides = [1, 1]} : vector<576x768xbf16> to vector<576x64xbf16>
    %slice3A_334 = vector.extract_strided_slice %slice3A_331 {offsets = [0, 0], sizes = [256, 64], strides = [1, 1]} : vector<512x64xbf16> to vector<256x64xbf16>
    %slice3A_335 = vector.extract_strided_slice %slice3A_332 {offsets = [0, 0], sizes = [320, 64], strides = [1, 1]} : vector<576x64xbf16> to vector<320x64xbf16>
    %slice3A_336 = vector.extract_strided_slice %slice3A_333 {offsets = [0, 0], sizes = [320, 64], strides = [1, 1]} : vector<576x64xbf16> to vector<320x64xbf16>
    %dot_general3A_337 = arith.constant dense<0.000000e+00> : vector<256x320xf32>
    %dot_general3A_338 = tpu.matmul %slice3A_334, %slice3A_335, %dot_general3A_337 {dimension_numbers = #tpu.dot_dimension_numbers<[1], [1], [0], [0], [0, 0, 1, 0], [], []>, transpose_lhs_hint = false} : vector<256x64xbf16>, vector<320x64xbf16>, vector<256x320xf32> -> vector<256x320xf32>
    %add3A_339 = arith.addf %dot_general3A_338, %select_n3A_124 : vector<256x320xf32>
    %exp3A_340 = math.exp %add3A_339 : vector<256x320xf32>
    %reduce_sum3A_341 = arith.constant dense<0.000000e+00> : vector<256xf32>
    %reduce_sum3A_342 = vector.multi_reduction <add>, %exp3A_340, %reduce_sum3A_341 [1] : vector<256x320xf32> to vector<256xf32>
    %broadcast_in_dim3A_343 = vector.shape_cast %reduce_sum3A_342 : vector<256xf32> to vector<256x1xf32>
    %convert_element_type3A_344 = arith.truncf %exp3A_340 : vector<256x320xf32> to vector<256x320xbf16>
    %dot_general3A_345 = arith.constant dense<0.000000e+00> : vector<256x64xf32>
    %dot_general3A_346 = tpu.matmul %convert_element_type3A_344, %slice3A_336, %dot_general3A_345 {dimension_numbers = #tpu.dot_dimension_numbers<[1], [0], [0], [1], [0, 0, 1, 1], [], []>, transpose_lhs_hint = false} : vector<256x320xbf16>, vector<320x64xbf16>, vector<256x64xf32> -> vector<256x64xf32>
    %div3A_347 = vector.broadcast %broadcast_in_dim3A_343 : vector<256x1xf32> to vector<256x64xf32>
    %div3A_348 = arith.divf %dot_general3A_346, %div3A_347 : vector<256x64xf32>
    %slice3A_349 = vector.extract_strided_slice %slice3A_331 {offsets = [256, 0], sizes = [256, 64], strides = [1, 1]} : vector<512x64xbf16> to vector<256x64xbf16>
    %slice3A_350 = vector.extract_strided_slice %slice3A_332 {offsets = [256, 0], sizes = [320, 64], strides = [1, 1]} : vector<576x64xbf16> to vector<320x64xbf16>
    %slice3A_351 = vector.extract_strided_slice %slice3A_333 {offsets = [256, 0], sizes = [320, 64], strides = [1, 1]} : vector<576x64xbf16> to vector<320x64xbf16>
    %dot_general3A_352 = arith.constant dense<0.000000e+00> : vector<256x320xf32>
    %dot_general3A_353 = tpu.matmul %slice3A_349, %slice3A_350, %dot_general3A_352 {dimension_numbers = #tpu.dot_dimension_numbers<[1], [1], [0], [0], [0, 0, 1, 0], [], []>, transpose_lhs_hint = false} : vector<256x64xbf16>, vector<320x64xbf16>, vector<256x320xf32> -> vector<256x320xf32>
    %add3A_354 = arith.addf %dot_general3A_353, %select_n3A_124 : vector<256x320xf32>
    %exp3A_355 = math.exp %add3A_354 : vector<256x320xf32>
    %reduce_sum3A_356 = arith.constant dense<0.000000e+00> : vector<256xf32>
    %reduce_sum3A_357 = vector.multi_reduction <add>, %exp3A_355, %reduce_sum3A_356 [1] : vector<256x320xf32> to vector<256xf32>
    %broadcast_in_dim3A_358 = vector.shape_cast %reduce_sum3A_357 : vector<256xf32> to vector<256x1xf32>
    %convert_element_type3A_359 = arith.truncf %exp3A_355 : vector<256x320xf32> to vector<256x320xbf16>
    %dot_general3A_360 = arith.constant dense<0.000000e+00> : vector<256x64xf32>
    %dot_general3A_361 = tpu.matmul %convert_element_type3A_359, %slice3A_351, %dot_general3A_360 {dimension_numbers = #tpu.dot_dimension_numbers<[1], [0], [0], [1], [0, 0, 1, 1], [], []>, transpose_lhs_hint = false} : vector<256x320xbf16>, vector<320x64xbf16>, vector<256x64xf32> -> vector<256x64xf32>
    %div3A_362 = vector.broadcast %broadcast_in_dim3A_358 : vector<256x1xf32> to vector<256x64xf32>
    %div3A_363 = arith.divf %dot_general3A_361, %div3A_362 : vector<256x64xf32>
    %concatenate3A_364 = tpu.concatenate %div3A_348, %div3A_363 in 0 : vector<256x64xf32>, vector<256x64xf32> -> vector<512x64xf32>
    %convert_element_type3A_365 = arith.truncf %concatenate3A_364 : vector<512x64xf32> to vector<512x64xbf16>
    %get3A_366 = arith.constant 320 : index
    %get3A_367 = arith.constant 0 : index
    %get3A_368 = vector.load %arg7[%get3A_366, %get3A_367] : memref<768x768xbf16, #tpu.memory_space<vmem>>, vector<64x768xbf16>
    %dot_general3A_369 = arith.constant dense<0.000000e+00> : vector<512x768xf32>
    %dot_general3A_370 = tpu.matmul %convert_element_type3A_365, %get3A_368, %dot_general3A_369 {dimension_numbers = #tpu.dot_dimension_numbers<[1], [0], [0], [1], [0, 0, 1, 1], [], []>, transpose_lhs_hint = false} : vector<512x64xbf16>, vector<64x768xbf16>, vector<512x768xf32> -> vector<512x768xf32>
    %add3A_371 = arith.addf %add3A_330, %dot_general3A_370 : vector<512x768xf32>
    %slice3A_372 = vector.extract_strided_slice %convert_element_type3A_44 {offsets = [0, 384], sizes = [512, 64], strides = [1, 1]} : vector<512x768xbf16> to vector<512x64xbf16>
    %slice3A_373 = vector.extract_strided_slice %convert_element_type3A_50 {offsets = [0, 384], sizes = [576, 64], strides = [1, 1]} : vector<576x768xbf16> to vector<576x64xbf16>
    %slice3A_374 = vector.extract_strided_slice %convert_element_type3A_56 {offsets = [0, 384], sizes = [576, 64], strides = [1, 1]} : vector<576x768xbf16> to vector<576x64xbf16>
    %slice3A_375 = vector.extract_strided_slice %slice3A_372 {offsets = [0, 0], sizes = [256, 64], strides = [1, 1]} : vector<512x64xbf16> to vector<256x64xbf16>
    %slice3A_376 = vector.extract_strided_slice %slice3A_373 {offsets = [0, 0], sizes = [320, 64], strides = [1, 1]} : vector<576x64xbf16> to vector<320x64xbf16>
    %slice3A_377 = vector.extract_strided_slice %slice3A_374 {offsets = [0, 0], sizes = [320, 64], strides = [1, 1]} : vector<576x64xbf16> to vector<320x64xbf16>
    %dot_general3A_378 = arith.constant dense<0.000000e+00> : vector<256x320xf32>
    %dot_general3A_379 = tpu.matmul %slice3A_375, %slice3A_376, %dot_general3A_378 {dimension_numbers = #tpu.dot_dimension_numbers<[1], [1], [0], [0], [0, 0, 1, 0], [], []>, transpose_lhs_hint = false} : vector<256x64xbf16>, vector<320x64xbf16>, vector<256x320xf32> -> vector<256x320xf32>
    %add3A_380 = arith.addf %dot_general3A_379, %select_n3A_124 : vector<256x320xf32>
    %exp3A_381 = math.exp %add3A_380 : vector<256x320xf32>
    %reduce_sum3A_382 = arith.constant dense<0.000000e+00> : vector<256xf32>
    %reduce_sum3A_383 = vector.multi_reduction <add>, %exp3A_381, %reduce_sum3A_382 [1] : vector<256x320xf32> to vector<256xf32>
    %broadcast_in_dim3A_384 = vector.shape_cast %reduce_sum3A_383 : vector<256xf32> to vector<256x1xf32>
    %convert_element_type3A_385 = arith.truncf %exp3A_381 : vector<256x320xf32> to vector<256x320xbf16>
    %dot_general3A_386 = arith.constant dense<0.000000e+00> : vector<256x64xf32>
    %dot_general3A_387 = tpu.matmul %convert_element_type3A_385, %slice3A_377, %dot_general3A_386 {dimension_numbers = #tpu.dot_dimension_numbers<[1], [0], [0], [1], [0, 0, 1, 1], [], []>, transpose_lhs_hint = false} : vector<256x320xbf16>, vector<320x64xbf16>, vector<256x64xf32> -> vector<256x64xf32>
    %div3A_388 = vector.broadcast %broadcast_in_dim3A_384 : vector<256x1xf32> to vector<256x64xf32>
    %div3A_389 = arith.divf %dot_general3A_387, %div3A_388 : vector<256x64xf32>
    %slice3A_390 = vector.extract_strided_slice %slice3A_372 {offsets = [256, 0], sizes = [256, 64], strides = [1, 1]} : vector<512x64xbf16> to vector<256x64xbf16>
    %slice3A_391 = vector.extract_strided_slice %slice3A_373 {offsets = [256, 0], sizes = [320, 64], strides = [1, 1]} : vector<576x64xbf16> to vector<320x64xbf16>
    %slice3A_392 = vector.extract_strided_slice %slice3A_374 {offsets = [256, 0], sizes = [320, 64], strides = [1, 1]} : vector<576x64xbf16> to vector<320x64xbf16>
    %dot_general3A_393 = arith.constant dense<0.000000e+00> : vector<256x320xf32>
    %dot_general3A_394 = tpu.matmul %slice3A_390, %slice3A_391, %dot_general3A_393 {dimension_numbers = #tpu.dot_dimension_numbers<[1], [1], [0], [0], [0, 0, 1, 0], [], []>, transpose_lhs_hint = false} : vector<256x64xbf16>, vector<320x64xbf16>, vector<256x320xf32> -> vector<256x320xf32>
    %add3A_395 = arith.addf %dot_general3A_394, %select_n3A_124 : vector<256x320xf32>
    %exp3A_396 = math.exp %add3A_395 : vector<256x320xf32>
    %reduce_sum3A_397 = arith.constant dense<0.000000e+00> : vector<256xf32>
    %reduce_sum3A_398 = vector.multi_reduction <add>, %exp3A_396, %reduce_sum3A_397 [1] : vector<256x320xf32> to vector<256xf32>
    %broadcast_in_dim3A_399 = vector.shape_cast %reduce_sum3A_398 : vector<256xf32> to vector<256x1xf32>
    %convert_element_type3A_400 = arith.truncf %exp3A_396 : vector<256x320xf32> to vector<256x320xbf16>
    %dot_general3A_401 = arith.constant dense<0.000000e+00> : vector<256x64xf32>
    %dot_general3A_402 = tpu.matmul %convert_element_type3A_400, %slice3A_392, %dot_general3A_401 {dimension_numbers = #tpu.dot_dimension_numbers<[1], [0], [0], [1], [0, 0, 1, 1], [], []>, transpose_lhs_hint = false} : vector<256x320xbf16>, vector<320x64xbf16>, vector<256x64xf32> -> vector<256x64xf32>
    %div3A_403 = vector.broadcast %broadcast_in_dim3A_399 : vector<256x1xf32> to vector<256x64xf32>
    %div3A_404 = arith.divf %dot_general3A_402, %div3A_403 : vector<256x64xf32>
    %concatenate3A_405 = tpu.concatenate %div3A_389, %div3A_404 in 0 : vector<256x64xf32>, vector<256x64xf32> -> vector<512x64xf32>
    %convert_element_type3A_406 = arith.truncf %concatenate3A_405 : vector<512x64xf32> to vector<512x64xbf16>
    %get3A_407 = arith.constant 384 : index
    %get3A_408 = arith.constant 0 : index
    %get3A_409 = vector.load %arg7[%get3A_407, %get3A_408] : memref<768x768xbf16, #tpu.memory_space<vmem>>, vector<64x768xbf16>
    %dot_general3A_410 = arith.constant dense<0.000000e+00> : vector<512x768xf32>
    %dot_general3A_411 = tpu.matmul %convert_element_type3A_406, %get3A_409, %dot_general3A_410 {dimension_numbers = #tpu.dot_dimension_numbers<[1], [0], [0], [1], [0, 0, 1, 1], [], []>, transpose_lhs_hint = false} : vector<512x64xbf16>, vector<64x768xbf16>, vector<512x768xf32> -> vector<512x768xf32>
    %add3A_412 = arith.addf %add3A_371, %dot_general3A_411 : vector<512x768xf32>
    %slice3A_413 = vector.extract_strided_slice %convert_element_type3A_44 {offsets = [0, 448], sizes = [512, 64], strides = [1, 1]} : vector<512x768xbf16> to vector<512x64xbf16>
    %slice3A_414 = vector.extract_strided_slice %convert_element_type3A_50 {offsets = [0, 448], sizes = [576, 64], strides = [1, 1]} : vector<576x768xbf16> to vector<576x64xbf16>
    %slice3A_415 = vector.extract_strided_slice %convert_element_type3A_56 {offsets = [0, 448], sizes = [576, 64], strides = [1, 1]} : vector<576x768xbf16> to vector<576x64xbf16>
    %slice3A_416 = vector.extract_strided_slice %slice3A_413 {offsets = [0, 0], sizes = [256, 64], strides = [1, 1]} : vector<512x64xbf16> to vector<256x64xbf16>
    %slice3A_417 = vector.extract_strided_slice %slice3A_414 {offsets = [0, 0], sizes = [320, 64], strides = [1, 1]} : vector<576x64xbf16> to vector<320x64xbf16>
    %slice3A_418 = vector.extract_strided_slice %slice3A_415 {offsets = [0, 0], sizes = [320, 64], strides = [1, 1]} : vector<576x64xbf16> to vector<320x64xbf16>
    %dot_general3A_419 = arith.constant dense<0.000000e+00> : vector<256x320xf32>
    %dot_general3A_420 = tpu.matmul %slice3A_416, %slice3A_417, %dot_general3A_419 {dimension_numbers = #tpu.dot_dimension_numbers<[1], [1], [0], [0], [0, 0, 1, 0], [], []>, transpose_lhs_hint = false} : vector<256x64xbf16>, vector<320x64xbf16>, vector<256x320xf32> -> vector<256x320xf32>
    %add3A_421 = arith.addf %dot_general3A_420, %select_n3A_124 : vector<256x320xf32>
    %exp3A_422 = math.exp %add3A_421 : vector<256x320xf32>
    %reduce_sum3A_423 = arith.constant dense<0.000000e+00> : vector<256xf32>
    %reduce_sum3A_424 = vector.multi_reduction <add>, %exp3A_422, %reduce_sum3A_423 [1] : vector<256x320xf32> to vector<256xf32>
    %broadcast_in_dim3A_425 = vector.shape_cast %reduce_sum3A_424 : vector<256xf32> to vector<256x1xf32>
    %convert_element_type3A_426 = arith.truncf %exp3A_422 : vector<256x320xf32> to vector<256x320xbf16>
    %dot_general3A_427 = arith.constant dense<0.000000e+00> : vector<256x64xf32>
    %dot_general3A_428 = tpu.matmul %convert_element_type3A_426, %slice3A_418, %dot_general3A_427 {dimension_numbers = #tpu.dot_dimension_numbers<[1], [0], [0], [1], [0, 0, 1, 1], [], []>, transpose_lhs_hint = false} : vector<256x320xbf16>, vector<320x64xbf16>, vector<256x64xf32> -> vector<256x64xf32>
    %div3A_429 = vector.broadcast %broadcast_in_dim3A_425 : vector<256x1xf32> to vector<256x64xf32>
    %div3A_430 = arith.divf %dot_general3A_428, %div3A_429 : vector<256x64xf32>
    %slice3A_431 = vector.extract_strided_slice %slice3A_413 {offsets = [256, 0], sizes = [256, 64], strides = [1, 1]} : vector<512x64xbf16> to vector<256x64xbf16>
    %slice3A_432 = vector.extract_strided_slice %slice3A_414 {offsets = [256, 0], sizes = [320, 64], strides = [1, 1]} : vector<576x64xbf16> to vector<320x64xbf16>
    %slice3A_433 = vector.extract_strided_slice %slice3A_415 {offsets = [256, 0], sizes = [320, 64], strides = [1, 1]} : vector<576x64xbf16> to vector<320x64xbf16>
    %dot_general3A_434 = arith.constant dense<0.000000e+00> : vector<256x320xf32>
    %dot_general3A_435 = tpu.matmul %slice3A_431, %slice3A_432, %dot_general3A_434 {dimension_numbers = #tpu.dot_dimension_numbers<[1], [1], [0], [0], [0, 0, 1, 0], [], []>, transpose_lhs_hint = false} : vector<256x64xbf16>, vector<320x64xbf16>, vector<256x320xf32> -> vector<256x320xf32>
    %add3A_436 = arith.addf %dot_general3A_435, %select_n3A_124 : vector<256x320xf32>
    %exp3A_437 = math.exp %add3A_436 : vector<256x320xf32>
    %reduce_sum3A_438 = arith.constant dense<0.000000e+00> : vector<256xf32>
    %reduce_sum3A_439 = vector.multi_reduction <add>, %exp3A_437, %reduce_sum3A_438 [1] : vector<256x320xf32> to vector<256xf32>
    %broadcast_in_dim3A_440 = vector.shape_cast %reduce_sum3A_439 : vector<256xf32> to vector<256x1xf32>
    %convert_element_type3A_441 = arith.truncf %exp3A_437 : vector<256x320xf32> to vector<256x320xbf16>
    %dot_general3A_442 = arith.constant dense<0.000000e+00> : vector<256x64xf32>
    %dot_general3A_443 = tpu.matmul %convert_element_type3A_441, %slice3A_433, %dot_general3A_442 {dimension_numbers = #tpu.dot_dimension_numbers<[1], [0], [0], [1], [0, 0, 1, 1], [], []>, transpose_lhs_hint = false} : vector<256x320xbf16>, vector<320x64xbf16>, vector<256x64xf32> -> vector<256x64xf32>
    %div3A_444 = vector.broadcast %broadcast_in_dim3A_440 : vector<256x1xf32> to vector<256x64xf32>
    %div3A_445 = arith.divf %dot_general3A_443, %div3A_444 : vector<256x64xf32>
    %concatenate3A_446 = tpu.concatenate %div3A_430, %div3A_445 in 0 : vector<256x64xf32>, vector<256x64xf32> -> vector<512x64xf32>
    %convert_element_type3A_447 = arith.truncf %concatenate3A_446 : vector<512x64xf32> to vector<512x64xbf16>
    %get3A_448 = arith.constant 448 : index
    %get3A_449 = arith.constant 0 : index
    %get3A_450 = vector.load %arg7[%get3A_448, %get3A_449] : memref<768x768xbf16, #tpu.memory_space<vmem>>, vector<64x768xbf16>
    %dot_general3A_451 = arith.constant dense<0.000000e+00> : vector<512x768xf32>
    %dot_general3A_452 = tpu.matmul %convert_element_type3A_447, %get3A_450, %dot_general3A_451 {dimension_numbers = #tpu.dot_dimension_numbers<[1], [0], [0], [1], [0, 0, 1, 1], [], []>, transpose_lhs_hint = false} : vector<512x64xbf16>, vector<64x768xbf16>, vector<512x768xf32> -> vector<512x768xf32>
    %add3A_453 = arith.addf %add3A_412, %dot_general3A_452 : vector<512x768xf32>
    %slice3A_454 = vector.extract_strided_slice %convert_element_type3A_44 {offsets = [0, 512], sizes = [512, 64], strides = [1, 1]} : vector<512x768xbf16> to vector<512x64xbf16>
    %slice3A_455 = vector.extract_strided_slice %convert_element_type3A_50 {offsets = [0, 512], sizes = [576, 64], strides = [1, 1]} : vector<576x768xbf16> to vector<576x64xbf16>
    %slice3A_456 = vector.extract_strided_slice %convert_element_type3A_56 {offsets = [0, 512], sizes = [576, 64], strides = [1, 1]} : vector<576x768xbf16> to vector<576x64xbf16>
    %slice3A_457 = vector.extract_strided_slice %slice3A_454 {offsets = [0, 0], sizes = [256, 64], strides = [1, 1]} : vector<512x64xbf16> to vector<256x64xbf16>
    %slice3A_458 = vector.extract_strided_slice %slice3A_455 {offsets = [0, 0], sizes = [320, 64], strides = [1, 1]} : vector<576x64xbf16> to vector<320x64xbf16>
    %slice3A_459 = vector.extract_strided_slice %slice3A_456 {offsets = [0, 0], sizes = [320, 64], strides = [1, 1]} : vector<576x64xbf16> to vector<320x64xbf16>
    %dot_general3A_460 = arith.constant dense<0.000000e+00> : vector<256x320xf32>
    %dot_general3A_461 = tpu.matmul %slice3A_457, %slice3A_458, %dot_general3A_460 {dimension_numbers = #tpu.dot_dimension_numbers<[1], [1], [0], [0], [0, 0, 1, 0], [], []>, transpose_lhs_hint = false} : vector<256x64xbf16>, vector<320x64xbf16>, vector<256x320xf32> -> vector<256x320xf32>
    %add3A_462 = arith.addf %dot_general3A_461, %select_n3A_124 : vector<256x320xf32>
    %exp3A_463 = math.exp %add3A_462 : vector<256x320xf32>
    %reduce_sum3A_464 = arith.constant dense<0.000000e+00> : vector<256xf32>
    %reduce_sum3A_465 = vector.multi_reduction <add>, %exp3A_463, %reduce_sum3A_464 [1] : vector<256x320xf32> to vector<256xf32>
    %broadcast_in_dim3A_466 = vector.shape_cast %reduce_sum3A_465 : vector<256xf32> to vector<256x1xf32>
    %convert_element_type3A_467 = arith.truncf %exp3A_463 : vector<256x320xf32> to vector<256x320xbf16>
    %dot_general3A_468 = arith.constant dense<0.000000e+00> : vector<256x64xf32>
    %dot_general3A_469 = tpu.matmul %convert_element_type3A_467, %slice3A_459, %dot_general3A_468 {dimension_numbers = #tpu.dot_dimension_numbers<[1], [0], [0], [1], [0, 0, 1, 1], [], []>, transpose_lhs_hint = false} : vector<256x320xbf16>, vector<320x64xbf16>, vector<256x64xf32> -> vector<256x64xf32>
    %div3A_470 = vector.broadcast %broadcast_in_dim3A_466 : vector<256x1xf32> to vector<256x64xf32>
    %div3A_471 = arith.divf %dot_general3A_469, %div3A_470 : vector<256x64xf32>
    %slice3A_472 = vector.extract_strided_slice %slice3A_454 {offsets = [256, 0], sizes = [256, 64], strides = [1, 1]} : vector<512x64xbf16> to vector<256x64xbf16>
    %slice3A_473 = vector.extract_strided_slice %slice3A_455 {offsets = [256, 0], sizes = [320, 64], strides = [1, 1]} : vector<576x64xbf16> to vector<320x64xbf16>
    %slice3A_474 = vector.extract_strided_slice %slice3A_456 {offsets = [256, 0], sizes = [320, 64], strides = [1, 1]} : vector<576x64xbf16> to vector<320x64xbf16>
    %dot_general3A_475 = arith.constant dense<0.000000e+00> : vector<256x320xf32>
    %dot_general3A_476 = tpu.matmul %slice3A_472, %slice3A_473, %dot_general3A_475 {dimension_numbers = #tpu.dot_dimension_numbers<[1], [1], [0], [0], [0, 0, 1, 0], [], []>, transpose_lhs_hint = false} : vector<256x64xbf16>, vector<320x64xbf16>, vector<256x320xf32> -> vector<256x320xf32>
    %add3A_477 = arith.addf %dot_general3A_476, %select_n3A_124 : vector<256x320xf32>
    %exp3A_478 = math.exp %add3A_477 : vector<256x320xf32>
    %reduce_sum3A_479 = arith.constant dense<0.000000e+00> : vector<256xf32>
    %reduce_sum3A_480 = vector.multi_reduction <add>, %exp3A_478, %reduce_sum3A_479 [1] : vector<256x320xf32> to vector<256xf32>
    %broadcast_in_dim3A_481 = vector.shape_cast %reduce_sum3A_480 : vector<256xf32> to vector<256x1xf32>
    %convert_element_type3A_482 = arith.truncf %exp3A_478 : vector<256x320xf32> to vector<256x320xbf16>
    %dot_general3A_483 = arith.constant dense<0.000000e+00> : vector<256x64xf32>
    %dot_general3A_484 = tpu.matmul %convert_element_type3A_482, %slice3A_474, %dot_general3A_483 {dimension_numbers = #tpu.dot_dimension_numbers<[1], [0], [0], [1], [0, 0, 1, 1], [], []>, transpose_lhs_hint = false} : vector<256x320xbf16>, vector<320x64xbf16>, vector<256x64xf32> -> vector<256x64xf32>
    %div3A_485 = vector.broadcast %broadcast_in_dim3A_481 : vector<256x1xf32> to vector<256x64xf32>
    %div3A_486 = arith.divf %dot_general3A_484, %div3A_485 : vector<256x64xf32>
    %concatenate3A_487 = tpu.concatenate %div3A_471, %div3A_486 in 0 : vector<256x64xf32>, vector<256x64xf32> -> vector<512x64xf32>
    %convert_element_type3A_488 = arith.truncf %concatenate3A_487 : vector<512x64xf32> to vector<512x64xbf16>
    %get3A_489 = arith.constant 512 : index
    %get3A_490 = arith.constant 0 : index
    %get3A_491 = vector.load %arg7[%get3A_489, %get3A_490] : memref<768x768xbf16, #tpu.memory_space<vmem>>, vector<64x768xbf16>
    %dot_general3A_492 = arith.constant dense<0.000000e+00> : vector<512x768xf32>
    %dot_general3A_493 = tpu.matmul %convert_element_type3A_488, %get3A_491, %dot_general3A_492 {dimension_numbers = #tpu.dot_dimension_numbers<[1], [0], [0], [1], [0, 0, 1, 1], [], []>, transpose_lhs_hint = false} : vector<512x64xbf16>, vector<64x768xbf16>, vector<512x768xf32> -> vector<512x768xf32>
    %add3A_494 = arith.addf %add3A_453, %dot_general3A_493 : vector<512x768xf32>
    %slice3A_495 = vector.extract_strided_slice %convert_element_type3A_44 {offsets = [0, 576], sizes = [512, 64], strides = [1, 1]} : vector<512x768xbf16> to vector<512x64xbf16>
    %slice3A_496 = vector.extract_strided_slice %convert_element_type3A_50 {offsets = [0, 576], sizes = [576, 64], strides = [1, 1]} : vector<576x768xbf16> to vector<576x64xbf16>
    %slice3A_497 = vector.extract_strided_slice %convert_element_type3A_56 {offsets = [0, 576], sizes = [576, 64], strides = [1, 1]} : vector<576x768xbf16> to vector<576x64xbf16>
    %slice3A_498 = vector.extract_strided_slice %slice3A_495 {offsets = [0, 0], sizes = [256, 64], strides = [1, 1]} : vector<512x64xbf16> to vector<256x64xbf16>
    %slice3A_499 = vector.extract_strided_slice %slice3A_496 {offsets = [0, 0], sizes = [320, 64], strides = [1, 1]} : vector<576x64xbf16> to vector<320x64xbf16>
    %slice3A_500 = vector.extract_strided_slice %slice3A_497 {offsets = [0, 0], sizes = [320, 64], strides = [1, 1]} : vector<576x64xbf16> to vector<320x64xbf16>
    %dot_general3A_501 = arith.constant dense<0.000000e+00> : vector<256x320xf32>
    %dot_general3A_502 = tpu.matmul %slice3A_498, %slice3A_499, %dot_general3A_501 {dimension_numbers = #tpu.dot_dimension_numbers<[1], [1], [0], [0], [0, 0, 1, 0], [], []>, transpose_lhs_hint = false} : vector<256x64xbf16>, vector<320x64xbf16>, vector<256x320xf32> -> vector<256x320xf32>
    %add3A_503 = arith.addf %dot_general3A_502, %select_n3A_124 : vector<256x320xf32>
    %exp3A_504 = math.exp %add3A_503 : vector<256x320xf32>
    %reduce_sum3A_505 = arith.constant dense<0.000000e+00> : vector<256xf32>
    %reduce_sum3A_506 = vector.multi_reduction <add>, %exp3A_504, %reduce_sum3A_505 [1] : vector<256x320xf32> to vector<256xf32>
    %broadcast_in_dim3A_507 = vector.shape_cast %reduce_sum3A_506 : vector<256xf32> to vector<256x1xf32>
    %convert_element_type3A_508 = arith.truncf %exp3A_504 : vector<256x320xf32> to vector<256x320xbf16>
    %dot_general3A_509 = arith.constant dense<0.000000e+00> : vector<256x64xf32>
    %dot_general3A_510 = tpu.matmul %convert_element_type3A_508, %slice3A_500, %dot_general3A_509 {dimension_numbers = #tpu.dot_dimension_numbers<[1], [0], [0], [1], [0, 0, 1, 1], [], []>, transpose_lhs_hint = false} : vector<256x320xbf16>, vector<320x64xbf16>, vector<256x64xf32> -> vector<256x64xf32>
    %div3A_511 = vector.broadcast %broadcast_in_dim3A_507 : vector<256x1xf32> to vector<256x64xf32>
    %div3A_512 = arith.divf %dot_general3A_510, %div3A_511 : vector<256x64xf32>
    %slice3A_513 = vector.extract_strided_slice %slice3A_495 {offsets = [256, 0], sizes = [256, 64], strides = [1, 1]} : vector<512x64xbf16> to vector<256x64xbf16>
    %slice3A_514 = vector.extract_strided_slice %slice3A_496 {offsets = [256, 0], sizes = [320, 64], strides = [1, 1]} : vector<576x64xbf16> to vector<320x64xbf16>
    %slice3A_515 = vector.extract_strided_slice %slice3A_497 {offsets = [256, 0], sizes = [320, 64], strides = [1, 1]} : vector<576x64xbf16> to vector<320x64xbf16>
    %dot_general3A_516 = arith.constant dense<0.000000e+00> : vector<256x320xf32>
    %dot_general3A_517 = tpu.matmul %slice3A_513, %slice3A_514, %dot_general3A_516 {dimension_numbers = #tpu.dot_dimension_numbers<[1], [1], [0], [0], [0, 0, 1, 0], [], []>, transpose_lhs_hint = false} : vector<256x64xbf16>, vector<320x64xbf16>, vector<256x320xf32> -> vector<256x320xf32>
    %add3A_518 = arith.addf %dot_general3A_517, %select_n3A_124 : vector<256x320xf32>
    %exp3A_519 = math.exp %add3A_518 : vector<256x320xf32>
    %reduce_sum3A_520 = arith.constant dense<0.000000e+00> : vector<256xf32>
    %reduce_sum3A_521 = vector.multi_reduction <add>, %exp3A_519, %reduce_sum3A_520 [1] : vector<256x320xf32> to vector<256xf32>
    %broadcast_in_dim3A_522 = vector.shape_cast %reduce_sum3A_521 : vector<256xf32> to vector<256x1xf32>
    %convert_element_type3A_523 = arith.truncf %exp3A_519 : vector<256x320xf32> to vector<256x320xbf16>
    %dot_general3A_524 = arith.constant dense<0.000000e+00> : vector<256x64xf32>
    %dot_general3A_525 = tpu.matmul %convert_element_type3A_523, %slice3A_515, %dot_general3A_524 {dimension_numbers = #tpu.dot_dimension_numbers<[1], [0], [0], [1], [0, 0, 1, 1], [], []>, transpose_lhs_hint = false} : vector<256x320xbf16>, vector<320x64xbf16>, vector<256x64xf32> -> vector<256x64xf32>
    %div3A_526 = vector.broadcast %broadcast_in_dim3A_522 : vector<256x1xf32> to vector<256x64xf32>
    %div3A_527 = arith.divf %dot_general3A_525, %div3A_526 : vector<256x64xf32>
    %concatenate3A_528 = tpu.concatenate %div3A_512, %div3A_527 in 0 : vector<256x64xf32>, vector<256x64xf32> -> vector<512x64xf32>
    %convert_element_type3A_529 = arith.truncf %concatenate3A_528 : vector<512x64xf32> to vector<512x64xbf16>
    %get3A_530 = arith.constant 576 : index
    %get3A_531 = arith.constant 0 : index
    %get3A_532 = vector.load %arg7[%get3A_530, %get3A_531] : memref<768x768xbf16, #tpu.memory_space<vmem>>, vector<64x768xbf16>
    %dot_general3A_533 = arith.constant dense<0.000000e+00> : vector<512x768xf32>
    %dot_general3A_534 = tpu.matmul %convert_element_type3A_529, %get3A_532, %dot_general3A_533 {dimension_numbers = #tpu.dot_dimension_numbers<[1], [0], [0], [1], [0, 0, 1, 1], [], []>, transpose_lhs_hint = false} : vector<512x64xbf16>, vector<64x768xbf16>, vector<512x768xf32> -> vector<512x768xf32>
    %add3A_535 = arith.addf %add3A_494, %dot_general3A_534 : vector<512x768xf32>
    %slice3A_536 = vector.extract_strided_slice %convert_element_type3A_44 {offsets = [0, 640], sizes = [512, 64], strides = [1, 1]} : vector<512x768xbf16> to vector<512x64xbf16>
    %slice3A_537 = vector.extract_strided_slice %convert_element_type3A_50 {offsets = [0, 640], sizes = [576, 64], strides = [1, 1]} : vector<576x768xbf16> to vector<576x64xbf16>
    %slice3A_538 = vector.extract_strided_slice %convert_element_type3A_56 {offsets = [0, 640], sizes = [576, 64], strides = [1, 1]} : vector<576x768xbf16> to vector<576x64xbf16>
    %slice3A_539 = vector.extract_strided_slice %slice3A_536 {offsets = [0, 0], sizes = [256, 64], strides = [1, 1]} : vector<512x64xbf16> to vector<256x64xbf16>
    %slice3A_540 = vector.extract_strided_slice %slice3A_537 {offsets = [0, 0], sizes = [320, 64], strides = [1, 1]} : vector<576x64xbf16> to vector<320x64xbf16>
    %slice3A_541 = vector.extract_strided_slice %slice3A_538 {offsets = [0, 0], sizes = [320, 64], strides = [1, 1]} : vector<576x64xbf16> to vector<320x64xbf16>
    %dot_general3A_542 = arith.constant dense<0.000000e+00> : vector<256x320xf32>
    %dot_general3A_543 = tpu.matmul %slice3A_539, %slice3A_540, %dot_general3A_542 {dimension_numbers = #tpu.dot_dimension_numbers<[1], [1], [0], [0], [0, 0, 1, 0], [], []>, transpose_lhs_hint = false} : vector<256x64xbf16>, vector<320x64xbf16>, vector<256x320xf32> -> vector<256x320xf32>
    %add3A_544 = arith.addf %dot_general3A_543, %select_n3A_124 : vector<256x320xf32>
    %exp3A_545 = math.exp %add3A_544 : vector<256x320xf32>
    %reduce_sum3A_546 = arith.constant dense<0.000000e+00> : vector<256xf32>
    %reduce_sum3A_547 = vector.multi_reduction <add>, %exp3A_545, %reduce_sum3A_546 [1] : vector<256x320xf32> to vector<256xf32>
    %broadcast_in_dim3A_548 = vector.shape_cast %reduce_sum3A_547 : vector<256xf32> to vector<256x1xf32>
    %convert_element_type3A_549 = arith.truncf %exp3A_545 : vector<256x320xf32> to vector<256x320xbf16>
    %dot_general3A_550 = arith.constant dense<0.000000e+00> : vector<256x64xf32>
    %dot_general3A_551 = tpu.matmul %convert_element_type3A_549, %slice3A_541, %dot_general3A_550 {dimension_numbers = #tpu.dot_dimension_numbers<[1], [0], [0], [1], [0, 0, 1, 1], [], []>, transpose_lhs_hint = false} : vector<256x320xbf16>, vector<320x64xbf16>, vector<256x64xf32> -> vector<256x64xf32>
    %div3A_552 = vector.broadcast %broadcast_in_dim3A_548 : vector<256x1xf32> to vector<256x64xf32>
    %div3A_553 = arith.divf %dot_general3A_551, %div3A_552 : vector<256x64xf32>
    %slice3A_554 = vector.extract_strided_slice %slice3A_536 {offsets = [256, 0], sizes = [256, 64], strides = [1, 1]} : vector<512x64xbf16> to vector<256x64xbf16>
    %slice3A_555 = vector.extract_strided_slice %slice3A_537 {offsets = [256, 0], sizes = [320, 64], strides = [1, 1]} : vector<576x64xbf16> to vector<320x64xbf16>
    %slice3A_556 = vector.extract_strided_slice %slice3A_538 {offsets = [256, 0], sizes = [320, 64], strides = [1, 1]} : vector<576x64xbf16> to vector<320x64xbf16>
    %dot_general3A_557 = arith.constant dense<0.000000e+00> : vector<256x320xf32>
    %dot_general3A_558 = tpu.matmul %slice3A_554, %slice3A_555, %dot_general3A_557 {dimension_numbers = #tpu.dot_dimension_numbers<[1], [1], [0], [0], [0, 0, 1, 0], [], []>, transpose_lhs_hint = false} : vector<256x64xbf16>, vector<320x64xbf16>, vector<256x320xf32> -> vector<256x320xf32>
    %add3A_559 = arith.addf %dot_general3A_558, %select_n3A_124 : vector<256x320xf32>
    %exp3A_560 = math.exp %add3A_559 : vector<256x320xf32>
    %reduce_sum3A_561 = arith.constant dense<0.000000e+00> : vector<256xf32>
    %reduce_sum3A_562 = vector.multi_reduction <add>, %exp3A_560, %reduce_sum3A_561 [1] : vector<256x320xf32> to vector<256xf32>
    %broadcast_in_dim3A_563 = vector.shape_cast %reduce_sum3A_562 : vector<256xf32> to vector<256x1xf32>
    %convert_element_type3A_564 = arith.truncf %exp3A_560 : vector<256x320xf32> to vector<256x320xbf16>
    %dot_general3A_565 = arith.constant dense<0.000000e+00> : vector<256x64xf32>
    %dot_general3A_566 = tpu.matmul %convert_element_type3A_564, %slice3A_556, %dot_general3A_565 {dimension_numbers = #tpu.dot_dimension_numbers<[1], [0], [0], [1], [0, 0, 1, 1], [], []>, transpose_lhs_hint = false} : vector<256x320xbf16>, vector<320x64xbf16>, vector<256x64xf32> -> vector<256x64xf32>
    %div3A_567 = vector.broadcast %broadcast_in_dim3A_563 : vector<256x1xf32> to vector<256x64xf32>
    %div3A_568 = arith.divf %dot_general3A_566, %div3A_567 : vector<256x64xf32>
    %concatenate3A_569 = tpu.concatenate %div3A_553, %div3A_568 in 0 : vector<256x64xf32>, vector<256x64xf32> -> vector<512x64xf32>
    %convert_element_type3A_570 = arith.truncf %concatenate3A_569 : vector<512x64xf32> to vector<512x64xbf16>
    %get3A_571 = arith.constant 640 : index
    %get3A_572 = arith.constant 0 : index
    %get3A_573 = vector.load %arg7[%get3A_571, %get3A_572] : memref<768x768xbf16, #tpu.memory_space<vmem>>, vector<64x768xbf16>
    %dot_general3A_574 = arith.constant dense<0.000000e+00> : vector<512x768xf32>
    %dot_general3A_575 = tpu.matmul %convert_element_type3A_570, %get3A_573, %dot_general3A_574 {dimension_numbers = #tpu.dot_dimension_numbers<[1], [0], [0], [1], [0, 0, 1, 1], [], []>, transpose_lhs_hint = false} : vector<512x64xbf16>, vector<64x768xbf16>, vector<512x768xf32> -> vector<512x768xf32>
    %add3A_576 = arith.addf %add3A_535, %dot_general3A_575 : vector<512x768xf32>
    %slice3A_577 = vector.extract_strided_slice %convert_element_type3A_44 {offsets = [0, 704], sizes = [512, 64], strides = [1, 1]} : vector<512x768xbf16> to vector<512x64xbf16>
    %slice3A_578 = vector.extract_strided_slice %convert_element_type3A_50 {offsets = [0, 704], sizes = [576, 64], strides = [1, 1]} : vector<576x768xbf16> to vector<576x64xbf16>
    %slice3A_579 = vector.extract_strided_slice %convert_element_type3A_56 {offsets = [0, 704], sizes = [576, 64], strides = [1, 1]} : vector<576x768xbf16> to vector<576x64xbf16>
    %slice3A_580 = vector.extract_strided_slice %slice3A_577 {offsets = [0, 0], sizes = [256, 64], strides = [1, 1]} : vector<512x64xbf16> to vector<256x64xbf16>
    %slice3A_581 = vector.extract_strided_slice %slice3A_578 {offsets = [0, 0], sizes = [320, 64], strides = [1, 1]} : vector<576x64xbf16> to vector<320x64xbf16>
    %slice3A_582 = vector.extract_strided_slice %slice3A_579 {offsets = [0, 0], sizes = [320, 64], strides = [1, 1]} : vector<576x64xbf16> to vector<320x64xbf16>
    %dot_general3A_583 = arith.constant dense<0.000000e+00> : vector<256x320xf32>
    %dot_general3A_584 = tpu.matmul %slice3A_580, %slice3A_581, %dot_general3A_583 {dimension_numbers = #tpu.dot_dimension_numbers<[1], [1], [0], [0], [0, 0, 1, 0], [], []>, transpose_lhs_hint = false} : vector<256x64xbf16>, vector<320x64xbf16>, vector<256x320xf32> -> vector<256x320xf32>
    %add3A_585 = arith.addf %dot_general3A_584, %select_n3A_124 : vector<256x320xf32>
    %exp3A_586 = math.exp %add3A_585 : vector<256x320xf32>
    %reduce_sum3A_587 = arith.constant dense<0.000000e+00> : vector<256xf32>
    %reduce_sum3A_588 = vector.multi_reduction <add>, %exp3A_586, %reduce_sum3A_587 [1] : vector<256x320xf32> to vector<256xf32>
    %broadcast_in_dim3A_589 = vector.shape_cast %reduce_sum3A_588 : vector<256xf32> to vector<256x1xf32>
    %convert_element_type3A_590 = arith.truncf %exp3A_586 : vector<256x320xf32> to vector<256x320xbf16>
    %dot_general3A_591 = arith.constant dense<0.000000e+00> : vector<256x64xf32>
    %dot_general3A_592 = tpu.matmul %convert_element_type3A_590, %slice3A_582, %dot_general3A_591 {dimension_numbers = #tpu.dot_dimension_numbers<[1], [0], [0], [1], [0, 0, 1, 1], [], []>, transpose_lhs_hint = false} : vector<256x320xbf16>, vector<320x64xbf16>, vector<256x64xf32> -> vector<256x64xf32>
    %div3A_593 = vector.broadcast %broadcast_in_dim3A_589 : vector<256x1xf32> to vector<256x64xf32>
    %div3A_594 = arith.divf %dot_general3A_592, %div3A_593 : vector<256x64xf32>
    %slice3A_595 = vector.extract_strided_slice %slice3A_577 {offsets = [256, 0], sizes = [256, 64], strides = [1, 1]} : vector<512x64xbf16> to vector<256x64xbf16>
    %slice3A_596 = vector.extract_strided_slice %slice3A_578 {offsets = [256, 0], sizes = [320, 64], strides = [1, 1]} : vector<576x64xbf16> to vector<320x64xbf16>
    %slice3A_597 = vector.extract_strided_slice %slice3A_579 {offsets = [256, 0], sizes = [320, 64], strides = [1, 1]} : vector<576x64xbf16> to vector<320x64xbf16>
    %dot_general3A_598 = arith.constant dense<0.000000e+00> : vector<256x320xf32>
    %dot_general3A_599 = tpu.matmul %slice3A_595, %slice3A_596, %dot_general3A_598 {dimension_numbers = #tpu.dot_dimension_numbers<[1], [1], [0], [0], [0, 0, 1, 0], [], []>, transpose_lhs_hint = false} : vector<256x64xbf16>, vector<320x64xbf16>, vector<256x320xf32> -> vector<256x320xf32>
    %add3A_600 = arith.addf %dot_general3A_599, %select_n3A_124 : vector<256x320xf32>
    %exp3A_601 = math.exp %add3A_600 : vector<256x320xf32>
    %reduce_sum3A_602 = arith.constant dense<0.000000e+00> : vector<256xf32>
    %reduce_sum3A_603 = vector.multi_reduction <add>, %exp3A_601, %reduce_sum3A_602 [1] : vector<256x320xf32> to vector<256xf32>
    %broadcast_in_dim3A_604 = vector.shape_cast %reduce_sum3A_603 : vector<256xf32> to vector<256x1xf32>
    %convert_element_type3A_605 = arith.truncf %exp3A_601 : vector<256x320xf32> to vector<256x320xbf16>
    %dot_general3A_606 = arith.constant dense<0.000000e+00> : vector<256x64xf32>
    %dot_general3A_607 = tpu.matmul %convert_element_type3A_605, %slice3A_597, %dot_general3A_606 {dimension_numbers = #tpu.dot_dimension_numbers<[1], [0], [0], [1], [0, 0, 1, 1], [], []>, transpose_lhs_hint = false} : vector<256x320xbf16>, vector<320x64xbf16>, vector<256x64xf32> -> vector<256x64xf32>
    %div3A_608 = vector.broadcast %broadcast_in_dim3A_604 : vector<256x1xf32> to vector<256x64xf32>
    %div3A_609 = arith.divf %dot_general3A_607, %div3A_608 : vector<256x64xf32>
    %concatenate3A_610 = tpu.concatenate %div3A_594, %div3A_609 in 0 : vector<256x64xf32>, vector<256x64xf32> -> vector<512x64xf32>
    %convert_element_type3A_611 = arith.truncf %concatenate3A_610 : vector<512x64xf32> to vector<512x64xbf16>
    %get3A_612 = arith.constant 704 : index
    %get3A_613 = arith.constant 0 : index
    %get3A_614 = vector.load %arg7[%get3A_612, %get3A_613] : memref<768x768xbf16, #tpu.memory_space<vmem>>, vector<64x768xbf16>
    %dot_general3A_615 = arith.constant dense<0.000000e+00> : vector<512x768xf32>
    %dot_general3A_616 = tpu.matmul %convert_element_type3A_611, %get3A_614, %dot_general3A_615 {dimension_numbers = #tpu.dot_dimension_numbers<[1], [0], [0], [1], [0, 0, 1, 1], [], []>, transpose_lhs_hint = false} : vector<512x64xbf16>, vector<64x768xbf16>, vector<512x768xf32> -> vector<512x768xf32>
    %add3A_617 = arith.addf %add3A_576, %dot_general3A_616 : vector<512x768xf32>
    %swap3A = arith.constant 0 : index
    %swap3A_618 = arith.constant 0 : index
    %swap3A_619 = arith.constant 0 : index
    %swap3A_620 = vector.load %arg10[%swap3A, %swap3A_618, %swap3A_619] : memref<1x512x768xf32, #tpu.memory_space<vmem>>, vector<1x512x768xf32>
    %swap3A_621 = vector.shape_cast %swap3A_620 : vector<1x512x768xf32> to vector<512x768xf32>
    %swap3A_622 = vector.shape_cast %add3A_617 : vector<512x768xf32> to vector<1x512x768xf32>
    tpu.vector_store %arg10[%swap3A, %swap3A_618, %swap3A_619], %swap3A_622 {strides = array<i32>} : memref<1x512x768xf32, #tpu.memory_space<vmem>>, vector<1x512x768xf32>,
    return
  }
  func.func @transform_0(%arg0: i32, %arg1: i32) -> (i32, i32, i32) {
    %c0_i32 = arith.constant 0 : i32
    %c0_i32_0 = arith.constant 0 : i32
    return %arg0, %arg1, %c0_i32 : i32, i32, i32
  }
  func.func @transform_1(%arg0: i32, %arg1: i32) -> (i32, i32, i32) {
    %mul3A = arith.constant 8 : i32
    %mul3A_0 = arith.muli %arg1, %mul3A : i32
    %sub3A = arith.constant 1 : i32
    %sub3A_1 = arith.subi %mul3A_0, %sub3A : i32
    %jit3A = arith.constant 128 : i32
    %eq3A = arith.constant 0 : i32
    %eq3A_2 = arith.cmpi eq, %jit3A, %eq3A : i32
    %jit3A_3 = arith.constant 1 : i32
    %select_n3A = arith.select %eq3A_2, %jit3A_3, %jit3A : i32
    %rem3A = arith.remsi %sub3A_1, %select_n3A : i32
    %ne3A = arith.constant 0 : i32
    %ne3A_4 = arith.cmpi ne, %rem3A, %ne3A : i32
    %lt3A = arith.constant 0 : i32
    %lt3A_5 = arith.cmpi slt, %rem3A, %lt3A : i32
    %lt3A_6 = arith.constant 0 : i32
    %lt3A_7 = arith.cmpi slt, %select_n3A, %lt3A_6 : i32
    %ne3A_8 = arith.xori %lt3A_5, %lt3A_7 : i1
    %and3A = arith.andi %ne3A_8, %ne3A_4 : i1
    %add3A = arith.addi %rem3A, %select_n3A : i32
    %select_n3A_9 = arith.select %and3A, %add3A, %rem3A : i32
    %c0_i32 = arith.constant 0 : i32
    %c0_i32_10 = arith.constant 0 : i32
    return %arg0, %select_n3A_9, %c0_i32 : i32, i32, i32
  }
  func.func @transform_2(%arg0: i32, %arg1: i32) -> (i32, i32) {
    %c0_i32 = arith.constant 0 : i32
    %c0_i32_0 = arith.constant 0 : i32
    %c0_i32_1 = arith.constant 0 : i32
    return %c0_i32, %c0_i32_0 : i32, i32
  }
  func.func @transform_3(%arg0: i32, %arg1: i32) -> (i32, i32) {
    %c0_i32 = arith.constant 0 : i32
    %c0_i32_0 = arith.constant 0 : i32
    %c0_i32_1 = arith.constant 0 : i32
    return %c0_i32, %c0_i32_0 : i32, i32
  }
  func.func @transform_4(%arg0: i32, %arg1: i32) -> (i32, i32) {
    %c0_i32 = arith.constant 0 : i32
    %c0_i32_0 = arith.constant 0 : i32
    %c0_i32_1 = arith.constant 0 : i32
    return %c0_i32, %c0_i32_0 : i32, i32
  }
  func.func @transform_5(%arg0: i32, %arg1: i32) -> (i32, i32) {
    %c0_i32 = arith.constant 0 : i32
    %c0_i32_0 = arith.constant 0 : i32
    %c0_i32_1 = arith.constant 0 : i32
    return %c0_i32, %c0_i32_0 : i32, i32
  }
  func.func @transform_6(%arg0: i32, %arg1: i32) -> (i32, i32) {
    %c0_i32 = arith.constant 0 : i32
    %c0_i32_0 = arith.constant 0 : i32
    %c0_i32_1 = arith.constant 0 : i32
    return %c0_i32, %c0_i32_0 : i32, i32
  }
  func.func @transform_7(%arg0: i32, %arg1: i32) -> (i32, i32) {
    %c0_i32 = arith.constant 0 : i32
    %c0_i32_0 = arith.constant 0 : i32
    %c0_i32_1 = arith.constant 0 : i32
    return %c0_i32, %c0_i32_0 : i32, i32
  }
  func.func @transform_8(%arg0: i32, %arg1: i32) -> (i32, i32, i32) {
    %c0_i32 = arith.constant 0 : i32
    %c0_i32_0 = arith.constant 0 : i32
    return %arg0, %arg1, %c0_i32 : i32, i32, i32
  }
}

</mosaic_0001>

<sc_bundles>
// kernel: sparse-core-data-format-call.cloned.1.call-start
scs
called_computation_lowered:
.L_overlay_start_0:
0x0: {  	s2 =	sld [smem:$0x3FD9]  }
0x1: {  	s3 =	sld [smem:$0x3FFE];
	_ =	sdelay $0x1  }
0x2: {  	s1 =	srdreg.scid  }
0x3: {  	s0 =	sand.u32 $0x1, s1  }
0x4: {  	s18 =	sshll.u32 s0, $0xA;
	s2 =	sadd.s32 s3, s2  }
0x5: {  	s2 =	sadd.s32 s2, s18  }
0x6: {  	[smem:$0x3FC1] =	sst s2  }
0x7: {  	_ = 	snop  }
0x8: {  	s2 =	sld [smem:$0x3FD0];
	(tm) =	ssettm $0x1  }
0x9: {  	s19 =	sld [smem:$0x3FFB];
	_ =	sdelay $0x3  }
0xa: {  	_ =	strace s19  }
0xb: {  	s3 =	sld [smem:$0x3FFC];
	_ =	sdelay $0x3  }
0xc: {  	_ =	strace s3  }
0xd: {  	s3 =	sld [smem:$0x3FFD];
	_ =	sdelay $0x3  }
0xe: {  	_ =	strace s3  }
0xf: {  	_ =	strace $0x8FFFFFFF  }
0x10: {  	s20 =	sld [smem:$0x3FDB];
	_ =	sdelay $0x1  }
0x11: {  	s4 =	simm.s32 $_scs_section_size  }
0x12: {  	s5 =	simm.s32 $_size__tile_overlayer_lowered;
	s6 =	simm.s32 $_tile_overlayer_lowered  }
0x13: {  	s23 =	simm.s32 $0x1BFF;
	s22 =	sshll.u32 s6, $0x1;
	s3 =	sadd.s32 s4, s20  }
0x14: {  	s7 =	simm.s32 $0x0;
	s21 =	sshll.u32 s5, $0x1;
	s5 =	sadd.s32 s22, s3  }
0x15: {  	[timem:s7], [sflag:s23] =	dma.local [hbm:s5], s21  }
0x16: {  	_ =	swait.ge [sflag:s23], s21  }
0x17: {  	s4 =	ssub.s32 $0x0, s21;
	[sflag:s23] =	ssyncset.done $0x0  }
0x18: {  	[sflag:s23] =	ssyncadd.s32 s4;
	_ =	sdelay $0x1  }
0x19: {  	s24 =	simm.s32 $0x1B8B  }
0x1a: {  	_ =	swait.ge [sflag:s24], $0x1  }
0x1b: {  	[sflag:s24] =	ssyncset.done $0x0  }
0x1c: {  	s26 =	simm.s32 $0x1B8E;
	s25 =	sld [smem:$0x3FFE];
	[sflag:s24] =	ssyncadd.s32 $0xFFFFFFFF  }
0x1d: {  	s27 =	simm.s32 $execute0_lowered;
	[smem:$0x3FD2] =	sst s26  }
0x1e: {  	s5 =	sshll.u32 s27, $0x1;
	_ =	strace $0x80000046;
	[dreg:$0x1] =	wrdreg $0xFFFFFFFF  }
0x1f: {  	s28 =	simm.s32 $_size_execute0_lowered;
	s3 =	sadd.s32 s3, s5;
	[dreg:$0x0] =	wrdreg $0x0  }
0x20: {  	s5 =	sshll.u32 s28, $0x1;
	[dreg:$0x2] =	wrdreg s3  }
0x21: {  	[dreg:$0x3] =	wrdreg s5  }
0x22: {  	[dreg:$0x4] =	wrdreg $0xC0  }
0x23: {  	_ =	task [dreg:s7], $0x5FFFF  }
0x24: {  	[dreg:$0x1] =	wrdreg $0xFFFFFFFF  }
0x25: {  	[dreg:$0x0] =	wrdreg $0x60  }
0x26: {  	[dreg:$0x2] =	wrdreg s25  }
0x27: {  	[dreg:$0x3] =	wrdreg s2  }
0x28: {  	[dreg:$0x4] =	wrdreg $0x9  }
0x29: {  	_ =	task.clear_ibuf [dreg:s7], $0x5FFFF;
	_ =	strace $0x90000046  }
0x2a: {  	s29 =	simm.s32 $0x9;
	_ =	strace $0x80000048  }
0x2b: {  	_ =	swait.ge [sflag:s29], $0x1  }
0x2c: {  	[sflag:s29] =	ssyncadd.s32 $0xFFFFFFFF  }
0x2d: {  	_ =	strace $0x90000048  }
0x2e: {  	_ =	sfence  }
0x2f: {  	s30 =	sld [smem:$0x0];
	_ =	sdelay $0x2  }
0x30: {  	s31 =	sshll.u32 s1, $0xD;
	s1 =	sshrl.u32 s1, $0x2  }
0x31: {  	s3 =	sand.u32 $0x4000, s31;
	s1 =	sadd.s32 s1, s30  }
0x32: {  	s0 =	sor.u32 s3, s0;
	s1 =	sshll.u32 s1, $0x11  }
0x33: {  	s0 =	sor.u32 s1, s0  }
0x34: {  	s0 =	sadd.s32 $0x8F2B, s0  }
0x35: {  	[sflag:s0] =	ssyncadd.remote.s32 $0x1  }
0x36: {  	_ =	sfence.sel $0xFFFF  }
0x37: {  	[dreg:$0x0] =	wrdreg $0xFFFFFFFF;
	(pc) =	sbr.abs _section_cstart, $3  }
0x38: {  	[dreg:$0x1] =	wrdreg $0xFFFFFFFF  }
0x39: {  	_ =	task.clear_ibuf [dreg:s7], $0x2FFFF;
	_ =	strace $0x9FFFFFFF  }
0x3a: {  	(tm) =	ssettm $0x7FFFFFFF  }
0x3b: {  	_ =	shalt  }
tec
execute0_lowered:
.L_overlay_start_1:
0x0: {  	(tag) =	ssettag $0x1  }
0x1: {  	s0 =	stileid.u32;
	s1 =	srdreg.scid  }
0x2: {  	s2 =	sshll.u32 s0, $0x6;
	s1 =	sshll.u32 s1, $0xA  }
0x3: {  	s1 =	sor.u32 s2, s1  }
0x4: {  	s7 =	rddreg [dreg:$0x0];
	s1 =	sand.u32 $0x780, s1  }
0x5: {  	s8 =	simm.s32 $0x2;
	s2 =	sand.u32 $0x1, s0;
	s3 =	ssub.s32 $0x2000, s1  }
0x6: {  	s16 =	simm.s32 $0x0;
	s4 =	ssub.s32 $0x2, s2;
	s5 =	sand.u32 $0x780, s3  }
0x7: {  	s6 =	sshrl.u32 s4, $0x1;
	p0 =	sne.s32 s5, $0x0;
	s5 =	simm.s32 $0x1  }
0x8: {  	s4 =	sand.u32 $0x1, s4;
	s3 =	sshrl.u32 s3, $0xB;
	s5 =	simm.s32 @!p0 $0x0  }
0x9: {  	s9 =	simm.s32 $0x600;
	s6 =	sadd.s32 s4, s6;
	s3 =	sadd.s32 s5, s3  }
0xa: {  	s10 =	simm.s32 $0x0;
	s15 =	simm.s32 $0x0;
	s6 =	smul.u32 s3, s6  }
.Ltmp0:
0xb: {  	s17 =	simm.s32 $0x0;
	s11 =	simm.s32 $0x0;
	(pc) =	sbr.rel .LBB1_1-.Ltmp0, $4  }
0xc: {  	s14 =	simm.s32 $0x0;
	s4 =	rddreg [dreg:$0x1];
	s5 =	simm.s32 $0x1  }
0xd: {  	s3 =	rddreg [dreg:$0x2];
	_ =	strace $0x80000047;
	s6 =	smul.u32 $0x6, s6  }
0xe: {  	s7 =	sadd.s32 $0xA00, s7;
	s13 =	smov.u32 s2;
	[sflag:s5] =	ssyncpa.u1 $0x0  }
0xf: {  	s12 =	smov.u32 s1;
	[sflag:s8] =	ssyncpa.u1 $0x0;
	s8 =	sor.u32 $0x1, s6  }
.LBB1_4:
0x10: {  	_ =	sdelay $0x3  }
0x11: {  	[tilespmem:v0+s20+$0xFFFFFFA0 ss:$0x1] =	vst.idx.msk $0xffff, v7;
	s21 =	sshrl.u32 s17, $0x1  }
0x12: {  	v56 =	vld.idx.msk [tilespmem:v1+s19+$0x30 ss:$0x1], $0xffff;
	[tilespmem:v0+s20+$0xFFFFFFB0 ss:$0x1] =	vst.idx.msk $0xffff, v6;
	s22 =	sshll.u32 s16, $0x1;
	s25 =	sshll.u32 s17, $0x7;
	s21 =	smul.u32 $0x600, s21  }
0x13: {  	v57 =	vld.idx.msk [tilespmem:v1+s19+$0xFFFFFFC0 ss:$0x1], $0xffff;
	[tilespmem:v0+s20+$0xFFFFFFC0 ss:$0x1] =	vst.idx.msk $0xffff, v4;
	s26 =	sand.u32 $0x7F, s16;
	s22 =	sand.u32 $0xFFFFFF00, s22;
	s17 =	sand.u32 $0x80, s25  }
0x14: {  	v58 =	vld.idx.msk [tilespmem:v1+s19+$0xFFFFFFD0 ss:$0x1], $0xffff;
	[tilespmem:v0+s20+$0xFFFFFFD0 ss:$0x1] =	vst.idx.msk $0xffff, v2;
	s16 =	sor.u32 s17, s26;
	s21 =	sadd.s32 s21, s22  }
0x15: {  	v59 =	vld.idx.msk [tilespmem:v1+s19+$0xFFFFFFE0 ss:$0x1], $0xffff;
	[tilespmem:v0+s20+$0xFFFFFFE0 ss:$0x1] =	vst.idx.msk $0xffff, v3;
	s16 =	sor.u32 s21, s16  }
0x16: {  	v60 =	vld.idx.msk [tilespmem:v1+s19+$0xFFFFFFF0 ss:$0x1], $0xffff;
	[tilespmem:v0+s20+$0xFFFFFFF0 ss:$0x1] =	vst.idx.msk $0xffff, v5;
	s27 =	smulhi.u32 $0xAAAAAAAB, s16  }
0x17: {  	v61 =	vld.idx.msk [tilespmem:v1+s19+$0x0 ss:$0x1], $0xffff;
	s28 =	smulhi.u32 $0xAAAAAAAB, s21;
	[tilespmem:v0+s19+$0x0 ss:$0x1] =	vst.idx.msk $0xffff, v56  }
0x18: {  	v62 =	vld.idx.msk [tilespmem:v1+s19+$0x10 ss:$0x1], $0xffff;
	[tilespmem:v0+s19+$0xFFFFFF90 ss:$0x1] =	vst.idx.msk $0xffff, v57;
	s17 =	sshrl.u32 s27, $0x9  }
0x19: {  	v63 =	vld.idx.msk [tilespmem:v1+s19+$0x20 ss:$0x1], $0xffff;
	[tilespmem:v0+s19+$0xFFFFFFA0 ss:$0x1] =	vst.idx.msk $0xffff, v58;
	s20 =	sshrl.u32 s28, $0x9;
	s17 =	smul.u32 $0x300, s17  }
0x1a: {  	s15 =	smul.u32 $0xC0, s15;
	[tilespmem:v0+s19+$0xFFFFFFB0 ss:$0x1] =	vst.idx.msk $0xffff, v59;
	s20 =	sand.u32 $0x1, s20  }
0x1b: {  	[tilespmem:v0+s19+$0xFFFFFFC0 ss:$0x1] =	vst.idx.msk $0xffff, v60;
	p0 =	seq.s32 s20, $0x1;
	s16 =	ssub.s32 s16, s17;
	s17 =	simm.s32 $0x60  }
0x1c: {  	s15 =	sadd.s32 s4, s15;
	[tilespmem:v0+s19+$0xFFFFFFD0 ss:$0x1] =	vst.idx.msk $0xffff, v61;
	s17 =	simm.s32 @!p0 $0x0;
	s29 =	sand.u32 $0x7, s16  }
0x1d: {  	[tilespmem:v0+s19+$0xFFFFFFE0 ss:$0x1] =	vst.idx.msk $0xffff, v62;
	s16 =	sshrl.u32 s16, $0x3;
	s15 =	sadd.s32 s17, s15;
	s30 =	sshll.u32 s29, $0x12  }
0x1e: {  	[tilespmem:v0+s19+$0xFFFFFFF0 ss:$0x1] =	vst.idx.msk $0xffff, v63;
	s15 =	sadd.s32 s16, s15;
	s31 =	sor.u32 $0x80, s30  }
0x1f: {  	[hbm4b:s15+s31] =	stream.strided.scatter [tilespmem:s18], [sflag:$0x2], $0x4000, s9, s31, $0x38;
	[tilespmem:$0x10000] =	vst v63  }
.LBB1_5:
0x20: {  	s18 =	sadd.s32 $0x80, s11  }
0x21: {  	s15 =	sadd.s32 $0x800, s12;
	s19 =	smov.u32 s12;
	p1 =	sgt.s32 s18, $0x2FF  }
0x22: {  	s19 =	smov.u32 @p1 s15  }
0x23: {  	s21 =	smov.u32 s13;
	s15 =	sadd.s32 $0x2, s13;
	p2 =	sgt.s32 s19, $0x1FFF  }
0x24: {  	s21 =	smov.u32 @p2 s15  }
0x25: {  	s18 =	simm.s32 @p1 $0x0;
	p1 =	sgt.s32 s21, $0x1  }
0x26: {  	p0 =	slt.u32 s14, $0x2;
	s21 =	smov.u32 @p1 s2;
	p1 =	sne.s32 s14, s8  }
.Ltmp1:
0x27: {  	s20 =	simm.s32 @!p0 $0x2;
	(pc) =	sbr.rel @!p1 .LBB1_6-.Ltmp1, $4  }
0x28: {  	s16 =	smov.u32 s11;
	s17 =	smov.u32 s13;
	_ =	swait.ge @!p0 [sflag:s20], $0x4000  }
0x29: {  	s10 =	sadd.s32 $0x4000, s10;
	[sflag:s20] =	ssyncset.done @!p0 $0x0;
	s11 =	smov.u32 s18  }
0x2a: {  	s19 =	smov.u32 @p2 s1;
	s15 =	smov.u32 s12;
	[sflag:s20] =	ssyncadd.s32 @!p0 $0xFFFFC000  }
0x2b: {  	s12 =	smov.u32 s19;
	s14 =	sadd.s32 $0x1, s14;
	s13 =	smov.u32 s21  }
.LBB1_1:
0x2c: {  	p0 =	sge.u32 s14, s6  }
0x2d: {  	s18 =	sshrl.u32 @!p0 s12, $0x3  }
0x2e: {  	s19 =	sshll.u32 @!p0 s11, $0x3;
	s18 =	smul.u32 @!p0 $0x1800, s18  }
0x2f: {  	s20 =	sshll.u32 @!p0 s12, $0x7;
	s19 =	sand.u32 @!p0 $0xFFFFFC00, s19  }
0x30: {  	s18 =	sadd.s32 @!p0 s18, s19;
	s19 =	sand.u32 @!p0 $0x380, s20  }
0x31: {  	s20 =	sand.u32 @!p0 $0x7F, s11;
	s18 =	sor.u32 @!p0 s19, s18  }
0x32: {  	s19 =	sor.u32 @!p0 s20, s18  }
0x33: {  	s20 =	smulhi.u32 @!p0 $0xAAAAAAAB, s19  }
0x34: {  	s18 =	smulhi.u32 @!p0 $0xAAAAAAAB, s18  }
0x35: {  	s20 =	sshrl.u32 @!p0 s20, $0x9  }
0x36: {  	s31 =	sadd.s32 $0xFFFFFFFF, s14;
	s18 =	sshrl.u32 @!p0 s18, $0x9;
	s20 =	smul.u32 @!p0 $0x300, s20  }
0x37: {  	s21 =	sxor.u32 @!p0 $0xFFFFFFFF, s14;
	s22 =	smul.u32 @!p0 $0xC0000, s13;
	s18 =	sand.u32 @!p0 $0x1FFF, s18  }
0x38: {  	s21 =	sshll.u32 @!p0 s21, $0xE;
	s18 =	smul.u32 @!p0 $0x60, s18;
	s19 =	ssub.s32 @!p0 s19, s20  }
0x39: {  	s20 =	sand.u32 @!p0 $0x4000, s21;
	s21 =	sadd.s32 @!p0 s7, s22;
	s22 =	sand.u32 @!p0 $0x7, s19  }
0x3a: {  	s19 =	sshrl.u32 @!p0 s19, $0x3;
	s18 =	sadd.s32 @!p0 s18, s21;
	s21 =	sshll.u32 @!p0 s22, $0x12  }
0x3b: {  	s18 =	sadd.s32 @!p0 s19, s18;
	s19 =	sor.u32 @!p0 $0x400, s21;
	s21 =	simm.s32 @!p0 $0x1800  }
0x3c: {  	[tilespmem:s20], [sflag:$0x1] =	stream.strided.gather @!p0 [hbm4b:s18+s19], $0x4000, s21, s19, $0x38;
	[tilespmem:$0x10000] =	vst v63  }
0x3d: {  	p0 =	sge.u32 s31, s6  }
.Ltmp2:
0x3e: {  	_ = 	snop;
	(pc) =	sbr.rel @p0 .LBB1_5-.Ltmp2, $1  }
0x3f: {  	_ =	sdelay $0x3  }
0x40: {  	s18 =	sand.u32 $0x4000, s10  }
0x41: {  	s19 =	sor.u32 $0x40, s18  }
0x42: {  	v1 =	vmov s19;
	_ =	sdelay $0x1  }
0x43: {  	_ =	swait.ge [sflag:s5], $0x4000  }
0x44: {  	[sflag:s5] =	ssyncset.done $0x0  }
0x45: {  	s20 =	simm.s32 $0x0;
	[sflag:s5] =	ssyncadd.s32 $0xFFFFC000  }
0x46: {  	s18 =	sor.u32 $0x8070, s18;
	v5 =	vld.idx.msk [tilespmem:v1+s20+$0x30 ss:$0x1], $0xffff  }
0x47: {  	v0 =	vmov s18;
	v8 =	vld.idx.msk [tilespmem:v1+s20+$0xFFFFFFC0 ss:$0x1], $0xffff  }
0x48: {  	v7 =	vld.idx.msk [tilespmem:v1+s20+$0xFFFFFFD0 ss:$0x1], $0xffff  }
0x49: {  	v6 =	vld.idx.msk [tilespmem:v1+s20+$0xFFFFFFE0 ss:$0x1], $0xffff  }
0x4a: {  	v4 =	vld.idx.msk [tilespmem:v1+s20+$0xFFFFFFF0 ss:$0x1], $0xffff  }
0x4b: {  	s31 =	sshll.u32 s14, $0xE;
	v2 =	vld.idx.msk [tilespmem:v1+s20+$0x0 ss:$0x1], $0xffff  }
0x4c: {  	s18 =	sand.u32 $0x4000, s31;
	v3 =	vld.idx.msk [tilespmem:v1+s20+$0x10 ss:$0x1], $0xffff;
	[tilespmem:v0+s20+$0x0 ss:$0x1] =	vst.idx.msk $0xffff, v5  }
0x4d: {  	s21 =	simm.s32 $0x400;
	s19 =	simm.s32 $0x80;
	s18 =	sor.u32 $0x8000, s18;
	[tilespmem:v0+s20+$0xFFFFFF90 ss:$0x1] =	vst.idx.msk $0xffff, v8;
	v5 =	vld.idx.msk [tilespmem:v1+s20+$0x20 ss:$0x1], $0xffff  }
.LBB1_3:
0x4e: {  	p0 =	sne.s32 s21, $0xFE00;
	v8 =	vld.idx.msk [tilespmem:v1+s19+$0x30 ss:$0x1], $0xffff;
	[tilespmem:v0+s20+$0xFFFFFFA0 ss:$0x1] =	vst.idx.msk $0xffff, v7  }
0x4f: {  	v9 =	vld.idx.msk [tilespmem:v1+s19+$0xFFFFFFC0 ss:$0x1], $0xffff;
	[tilespmem:v0+s20+$0xFFFFFFB0 ss:$0x1] =	vst.idx.msk $0xffff, v6  }
0x50: {  	v7 =	vld.idx.msk [tilespmem:v1+s19+$0xFFFFFFD0 ss:$0x1], $0xffff;
	[tilespmem:v0+s20+$0xFFFFFFC0 ss:$0x1] =	vst.idx.msk $0xffff, v4  }
.Ltmp3:
0x51: {  	v6 =	vld.idx.msk [tilespmem:v1+s19+$0xFFFFFFE0 ss:$0x1], $0xffff;
	[tilespmem:v0+s20+$0xFFFFFFD0 ss:$0x1] =	vst.idx.msk $0xffff, v2;
	(pc) =	sbr.rel @p0 .LBB1_3-.Ltmp3, $4  }
0x52: {  	v4 =	vld.idx.msk [tilespmem:v1+s19+$0xFFFFFFF0 ss:$0x1], $0xffff;
	[tilespmem:v0+s20+$0xFFFFFFE0 ss:$0x1] =	vst.idx.msk $0xffff, v3  }
0x53: {  	v2 =	vld.idx.msk [tilespmem:v1+s19+$0x0 ss:$0x1], $0xffff;
	[tilespmem:v0+s20+$0xFFFFFFF0 ss:$0x1] =	vst.idx.msk $0xffff, v5;
	s20 =	smov.u32 s19  }
0x54: {  	v3 =	vld.idx.msk [tilespmem:v1+s20+$0x10 ss:$0x1], $0xffff;
	[tilespmem:v0+s20+$0x0 ss:$0x1] =	vst.idx.msk $0xffff, v8  }
0x55: {  	s19 =	sshra.s32 s21, $0x2;
	s21 =	sadd.s32 $0x200, s21;
	[tilespmem:v0+s20+$0xFFFFFF90 ss:$0x1] =	vst.idx.msk $0xffff, v9;
	v5 =	vld.idx.msk [tilespmem:v1+s20+$0x20 ss:$0x1], $0xffff  }
.Ltmp4:
0x56: {  	_ = 	snop;
	(pc) =	sbr.rel .LBB1_4-.Ltmp4, $1  }
0x57: {  	_ =	sdelay $0x3  }
.LBB1_6:
0x58: {  	_ =	sfence.sel $0x180000  }
0x59: {  	s1 =	simm.s32 $0x1;
	[bflag:$0x0] =	sbarrier.arrive $0xFFFF  }
0x5a: {  	s31 =	simm.s32 $0x2;
	[sflag:s1] =	ssyncpa.u1 $0x1  }
0x5b: {  	[sflag:s31] =	ssyncpa.u1 $0x1  }
0x5c: {  	p0 =	sne.s32 s0, $0x0;
	_ =	strace $0x90000047  }
0x5d: {  	s0 =	sadd.s32 @!p0 $0x100000, s3;
	[bflag:$0x2] =	sbarrier.arrive $0xFFFF  }
0x5e: {  	[sflag:s0] =	ssyncadd.tile.s32 @!p0 $0x1;
	_ =	shalt  }
.Lfunc_end1:
_tile_overlayer_lowered:
.L_overlay_start_2:
0x5f: {  	(tag) =	ssettag $0x2  }
0x60: {  	s0 =	rddreg [dreg:$0x0];
	s2 =	stileid.u32  }
0x61: {  	s1 =	rddreg [dreg:$0x1];
	p0 =	sne.s32 s2, $0x0  }
0x62: {  	s3 =	rddreg [dreg:$0x2];
	[bflag:$0x3] =	sbarrier.arrive $0xFFFF;
	s2 =	simm.s32 @!p0 $0x1C01  }
0x63: {  	[timem:s3], [sflag:s2] =	dma.local @!p0 [hbm:s0], s1  }
0x64: {  	s0 =	simm.s32 @!p0 $0x1  }
0x65: {  	_ =	swait.ge @!p0 [sflag:s0], s1  }
0x66: {  	s1 =	ssub.s32 @!p0 $0x0, s1;
	[sflag:s0] =	ssyncset.done @!p0 $0x0  }
0x67: {  	[sflag:s0] =	ssyncadd.s32 @!p0 s1  }
0x68: {  	[bflag:$0x3] =	sbarrier.arrive $0xFFFF  }
0x69: {  	_ =	shalt  }

</sc_bundles>
